<compile_context>
chip_gen: v7x
topology: tpu7x:2x2x1
jax: 0.10.2.dev20260603
libtpu: 0.0.44.dev20260713+nightly
codegen_flags: <defaults>
</compile_context>

<pallas_src>
import functools

import jax
import jax.numpy as jnp
from jax.experimental import pallas as pl
from jax.experimental.pallas import tpu as pltpu

_NEG = float('-inf')
_NUM_EXTRACT = 63
_RPS = 8


def _sampler_kernel(rows_ref, temps_ref, ks_ref, ps_ref, *refs, width,
                    ngroups):
  logit_refs = refs[:_RPS]
  score_ref, samp_ref = refs[_RPS:]
  i = pl.program_id(0)
  nsg = 8 * ngroups

  lane = jax.lax.broadcasted_iota(jnp.int32, (1, 128), 1)
  sub8 = jax.lax.broadcasted_iota(jnp.int32, (_RPS, 128), 0)

  zs = [logit_refs[j][0] for j in range(_RPS)]

  sg = jax.lax.broadcasted_iota(jnp.int32, (nsg, 128), 0)
  l = jax.lax.broadcasted_iota(jnp.int32, (nsg, 128), 1)
  colidx = (sg // ngroups) * width + (sg % ngroups) * 128 + l
  m0s = [jnp.max(z) for z in zs]
  amaxs = [jnp.min(jnp.where(zs[j] == m0s[j], colidx, jnp.int32(2**30)))
           for j in range(_RPS)]
  gtab0 = [jnp.max(z.reshape(8, ngroups, 128), axis=2) for z in zs]

  sub2 = jax.lax.broadcasted_iota(jnp.int32, (8, ngroups), 0)
  grp2 = jax.lax.broadcasted_iota(jnp.int32, (8, ngroups), 1)
  flat2 = sub2 * ngroups + grp2

  def body(it, carry):
    ms, gtabs, vals, cnts = carry
    new_ms, new_gtabs = [], []
    for j in range(_RPS):
      m = ms[j]
      pos = jnp.min(jnp.where(gtabs[j] == m, flat2, jnp.int32(2**30)))
      zg = logit_refs[j][0, pos, :]
      c = jnp.sum(jnp.where(zg == m, 1.0, 0.0))
      repl = jnp.max(jnp.where(zg < m, zg, _NEG))
      gtab = jnp.where(flat2 == pos, repl, gtabs[j])
      vals = jnp.where((sub8 == j) & (lane == it), m, vals)
      cnts = jnp.where((sub8 == j) & (lane == it), c, cnts)
      new_ms.append(jnp.max(gtab))
      new_gtabs.append(gtab)
    return tuple(new_ms), tuple(new_gtabs), vals, cnts

  vals0 = jnp.full((_RPS, 128), _NEG, dtype=jnp.float32)
  cnts0 = jnp.zeros((_RPS, 128), dtype=jnp.float32)
  _, _, vals, cnts = jax.lax.fori_loop(
      0, _NUM_EXTRACT, body, (tuple(m0s), tuple(gtab0), vals0, cnts0))

  tvec = jnp.zeros((_RPS, 1), jnp.float32)
  kvec = jnp.zeros((_RPS, 1), jnp.float32)
  pvec = jnp.zeros((_RPS, 1), jnp.float32)
  m0vec = jnp.zeros((_RPS, 1), jnp.float32)
  sub81 = jax.lax.broadcasted_iota(jnp.int32, (_RPS, 1), 0)
  for j in range(_RPS):
    t = i * _RPS + j
    tvec = jnp.where(sub81 == j, temps_ref[t], tvec)
    kf = jnp.clip(ks_ref[t], 1, _NUM_EXTRACT).astype(jnp.float32)
    kvec = jnp.where(sub81 == j, kf, kvec)
    pvec = jnp.where(sub81 == j, ps_ref[t], pvec)
    m0vec = jnp.where(sub81 == j, m0s[j], m0vec)

  e = jnp.exp((vals - m0vec) / tvec)
  ce = cnts * e
  tri = (jax.lax.broadcasted_iota(jnp.int32, (128, 128), 0)
         <= jax.lax.broadcasted_iota(jnp.int32, (128, 128), 1)).astype(
             jnp.float32)
  cumcnt = jax.lax.dot(cnts, tri, precision=jax.lax.Precision.HIGHEST)
  cumce = jax.lax.dot(ce, tri, precision=jax.lax.Precision.HIGHEST)

  jstar = jnp.min(jnp.where(cumcnt >= kvec, lane, jnp.int32(999)),
                  axis=1, keepdims=True)
  tau = jnp.max(jnp.where(lane == jstar, vals, _NEG), axis=1, keepdims=True)
  pmask = vals >= tau

  e_tot = jnp.sum(jnp.where(pmask, ce, 0.0), axis=1, keepdims=True)
  thr = pvec * e_tot
  c_before = cumce - ce
  epos = e > 0.0
  kept = jnp.floor((thr - c_before) / jnp.where(epos, e, 1.0)) + 1.0
  kept = jnp.clip(kept, 0.0, cnts)
  kept = jnp.where(pmask & epos, kept, 0.0)
  score = 1.0 / jnp.sum(kept * e, axis=1, keepdims=True)

  score_ref[0] = jnp.broadcast_to(score, (_RPS, 128))
  tok = jnp.zeros((_RPS, 128), jnp.int32)
  for j in range(_RPS):
    tok = jnp.where(sub8 == j, amaxs[j], tok)
  samp_ref[0] = tok


def kernel(input_logits, cu_seqlens_q, relative_idx, batch_offsets,
           cu_filtered, temperatures, num_transfer, top_k, top_p):
  del batch_offsets, num_transfer
  rows, v = input_logits.shape
  t_total = relative_idx.shape[0]
  nb = cu_filtered.shape[0] - 1
  width = v // 8
  width_pad = ((width + 127) // 128) * 128
  ngroups = width_pad // 128
  nsteps = t_total // _RPS

  counts = jnp.diff(cu_filtered)
  group_ids = jnp.repeat(jnp.arange(nb), counts, total_repeat_length=t_total)
  global_rows = (jnp.take(cu_seqlens_q[:-1], group_ids, axis=0)
                 + relative_idx).astype(jnp.int32)

  logits3 = input_logits.reshape(rows, 8, width)
  logits3 = jnp.pad(logits3, ((0, 0), (0, 0), (0, width_pad - width)),
                    constant_values=_NEG)
  logits3 = logits3.reshape(rows, 8 * ngroups, 128)

  def in_map(j):
    return lambda i, rows_r, temps_r, ks_r, ps_r: (rows_r[i * _RPS + j], 0, 0)

  out_map = lambda i, rows_r, temps_r, ks_r, ps_r: (i, 0, 0)

  grid_spec = pltpu.PrefetchScalarGridSpec(
      num_scalar_prefetch=4,
      grid=(nsteps,),
      in_specs=[pl.BlockSpec((1, 8 * ngroups, 128), in_map(j))
                for j in range(_RPS)],
      out_specs=[
          pl.BlockSpec((1, _RPS, 128), out_map),
          pl.BlockSpec((1, _RPS, 128), out_map),
      ],
  )

  score3, samp3 = pl.pallas_call(
      functools.partial(_sampler_kernel, width=width, ngroups=ngroups),
      grid_spec=grid_spec,
      out_shape=[
          jax.ShapeDtypeStruct((nsteps, _RPS, 128), jnp.float32),
          jax.ShapeDtypeStruct((nsteps, _RPS, 128), jnp.int32),
      ],
  )(global_rows, temperatures, top_k, top_p, *([logits3] * _RPS))

  return (samp3[:, :, 0].reshape(t_total),
          score3[:, :, 0].reshape(t_total))

# --- scband reference (transcript-rebuilt; emitter-appended) ---
"""Pipeline reference for scband-base-sampler-19043884990816 (READ-ONLY COPY).

The authoritative reference and input builder live on the scoring server;
editing this copy changes nothing except your own understanding.
"""

import jax, jax.numpy as jnp
import numpy as np

B = 16
SEQ = 16
CAND = 8
V = 100000


def setup_inputs(seed: int = 0) -> dict:
    key = jax.random.key(seed)
    ks = jax.random.split(key, 8)
    rows = B * SEQ
    T = B * CAND
    input_logits = jax.random.normal(ks[0], (rows, V), dtype=jnp.float32)
    cu_seqlens_q = (jnp.arange(B + 1) * SEQ).astype(jnp.int32)
    relative_idx = jax.random.randint(ks[1], (T,), 0, SEQ).astype(jnp.int32)
    cu_filtered = (jnp.arange(B + 1) * CAND).astype(jnp.int32)
    batch_offsets = jnp.arange(B).astype(jnp.int32)
    temperatures = 0.5 + jax.random.uniform(ks[2], (T,), dtype=jnp.float32)
    num_transfer = jax.random.randint(ks[3], (B,), 0, CAND).astype(jnp.int32)
    top_k = jax.random.randint(ks[4], (T,), 1, 64).astype(jnp.int32)
    top_p = 0.05 + 0.9 * jax.random.uniform(ks[5], (T,), dtype=jnp.float32)
    return {
        'input_logits': input_logits,
        'cu_seqlens_q': cu_seqlens_q,
        'relative_idx': relative_idx,
        'batch_offsets': batch_offsets,
        'cu_filtered': cu_filtered,
        'temperatures': temperatures,
        'num_transfer': num_transfer,
        'top_k': top_k,
        'top_p': top_p,
    }


def top_k_logits(logits, top_k):
    Vd = logits.shape[-1]
    max_k = min(63, Vd)
    top_vals, _ = jax.lax.top_k(logits, max_k)
    k_idx = jnp.clip(top_k - 1, 0, max_k - 1).astype(jnp.int32)[:, None]
    thresholds = jnp.take_along_axis(top_vals, k_idx, axis=1)
    neg = jnp.finfo(logits.dtype).min
    return jnp.where(logits < thresholds, neg, logits)


def top_p_logits(logits, top_p):
    p_val = top_p.reshape(-1, 1)
    sorted_indices = jnp.argsort(-logits, axis=-1)
    sorted_logits = jnp.take_along_axis(logits, sorted_indices, axis=-1)
    cumulative_probs = jnp.cumsum(jax.nn.softmax(sorted_logits, axis=-1), axis=-1)
    remove = cumulative_probs > p_val
    remove = jnp.concatenate([jnp.zeros_like(remove[:, :1]), remove[:, :-1]], axis=-1)
    N = logits.shape[0]
    mask = jnp.zeros(logits.shape, dtype=bool)
    mask = mask.at[jnp.arange(N)[:, None], sorted_indices].set(remove)
    neg = jnp.finfo(logits.dtype).min
    return jnp.where(mask, neg, logits)


def reference(input_logits, cu_seqlens_q, relative_idx, batch_offsets, cu_filtered, temperatures, num_transfer, top_k, top_p):
    nb = cu_filtered.shape[0] - 1
    counts = jnp.diff(cu_filtered)
    T = relative_idx.shape[0]
    # triton_repeat_interleave equivalent
    group_ids = jnp.repeat(jnp.arange(nb), counts, total_repeat_length=T)
    base_offsets = cu_seqlens_q[:-1]
    # k_values (computed in original forward from num_transfer)
    k_values = jnp.clip(num_transfer.reshape(-1), 0, None)
    base_offsets_flat = jnp.take(base_offsets, group_ids, axis=0)
    global_rows = base_offsets_flat + relative_idx
    cand_logits = jnp.take(input_logits, global_rows, axis=0)
    scaled_logits = cand_logits / temperatures[:, None]
    scaled_logits = top_k_logits(scaled_logits, top_k)
    scaled_logits = top_p_logits(scaled_logits, top_p)
    probs = jax.nn.softmax(scaled_logits, axis=-1)
    top_probs = jnp.max(probs, axis=-1)
    top_tokens = jnp.argmax(probs, axis=-1)
    # sample_token: BaseSampler returns top_tokens (greedy)
    sampled = top_tokens
    # compute_scores with algorithm='confidence'
    scores = top_probs
    return (sampled, scores)

if __name__ == "__main__":
    import jax
    _d = setup_inputs()
    print(jax.jit(kernel)(*tuple(_d.values())))

</pallas_src>

<mosaic_0001>
module attributes {stable_mosaic.version = 14 : i64} {
  func.func @_sampler_kernel(%arg0: i32, %arg1: memref<128xi32, #tpu.memory_space<smem>>, %arg2: memref<128xf32, #tpu.memory_space<smem>>, %arg3: memref<128xi32, #tpu.memory_space<smem>>, %arg4: memref<128xf32, #tpu.memory_space<smem>>, %arg5: memref<1x784x128xf32, #tpu.memory_space<vmem>>, %arg6: memref<1x784x128xf32, #tpu.memory_space<vmem>>, %arg7: memref<1x784x128xf32, #tpu.memory_space<vmem>>, %arg8: memref<1x784x128xf32, #tpu.memory_space<vmem>>, %arg9: memref<1x784x128xf32, #tpu.memory_space<vmem>>, %arg10: memref<1x784x128xf32, #tpu.memory_space<vmem>>, %arg11: memref<1x784x128xf32, #tpu.memory_space<vmem>>, %arg12: memref<1x784x128xf32, #tpu.memory_space<vmem>>, %arg13: memref<1x8x128xf32, #tpu.memory_space<vmem>>, %arg14: memref<1x8x128xi32, #tpu.memory_space<vmem>>) attributes {dimension_semantics = [#tpu.dimension_semantics<arbitrary>], iteration_bounds = array<i64: 16>, scalar_prefetch = 4 : i64, scratch_operands = 0 : i64, tpu.core_type = #tpu.core_type<tc>, window_params = [{transform_indices = @transform_0, window_bounds = array<i64: 1, 784, 128>}, {transform_indices = @transform_1, window_bounds = array<i64: 1, 784, 128>}, {transform_indices = @transform_2, window_bounds = array<i64: 1, 784, 128>}, {transform_indices = @transform_3, window_bounds = array<i64: 1, 784, 128>}, {transform_indices = @transform_4, window_bounds = array<i64: 1, 784, 128>}, {transform_indices = @transform_5, window_bounds = array<i64: 1, 784, 128>}, {transform_indices = @transform_6, window_bounds = array<i64: 1, 784, 128>}, {transform_indices = @transform_7, window_bounds = array<i64: 1, 784, 128>}, {transform_indices = @transform_8, window_bounds = array<i64: 1, 8, 128>}, {transform_indices = @transform_9, window_bounds = array<i64: 1, 8, 128>}]} {
    %iota3A = tpu.iota {dimensions = array<i32: 1>} : vector<1x128xi32>
    %iota3A_0 = tpu.iota {dimensions = array<i32: 0>} : vector<8x128xi32>
    %get3A = arith.constant 0 : index
    %get3A_1 = arith.constant 0 : index
    %get3A_2 = arith.constant 0 : index
    %get3A_3 = vector.load %arg5[%get3A, %get3A_1, %get3A_2] : memref<1x784x128xf32, #tpu.memory_space<vmem>>, vector<1x784x128xf32>
    %get3A_4 = vector.shape_cast %get3A_3 : vector<1x784x128xf32> to vector<784x128xf32>
    %get3A_5 = arith.constant 0 : index
    %get3A_6 = arith.constant 0 : index
    %get3A_7 = arith.constant 0 : index
    %get3A_8 = vector.load %arg6[%get3A_5, %get3A_6, %get3A_7] : memref<1x784x128xf32, #tpu.memory_space<vmem>>, vector<1x784x128xf32>
    %get3A_9 = vector.shape_cast %get3A_8 : vector<1x784x128xf32> to vector<784x128xf32>
    %get3A_10 = arith.constant 0 : index
    %get3A_11 = arith.constant 0 : index
    %get3A_12 = arith.constant 0 : index
    %get3A_13 = vector.load %arg7[%get3A_10, %get3A_11, %get3A_12] : memref<1x784x128xf32, #tpu.memory_space<vmem>>, vector<1x784x128xf32>
    %get3A_14 = vector.shape_cast %get3A_13 : vector<1x784x128xf32> to vector<784x128xf32>
    %get3A_15 = arith.constant 0 : index
    %get3A_16 = arith.constant 0 : index
    %get3A_17 = arith.constant 0 : index
    %get3A_18 = vector.load %arg8[%get3A_15, %get3A_16, %get3A_17] : memref<1x784x128xf32, #tpu.memory_space<vmem>>, vector<1x784x128xf32>
    %get3A_19 = vector.shape_cast %get3A_18 : vector<1x784x128xf32> to vector<784x128xf32>
    %get3A_20 = arith.constant 0 : index
    %get3A_21 = arith.constant 0 : index
    %get3A_22 = arith.constant 0 : index
    %get3A_23 = vector.load %arg9[%get3A_20, %get3A_21, %get3A_22] : memref<1x784x128xf32, #tpu.memory_space<vmem>>, vector<1x784x128xf32>
    %get3A_24 = vector.shape_cast %get3A_23 : vector<1x784x128xf32> to vector<784x128xf32>
    %get3A_25 = arith.constant 0 : index
    %get3A_26 = arith.constant 0 : index
    %get3A_27 = arith.constant 0 : index
    %get3A_28 = vector.load %arg10[%get3A_25, %get3A_26, %get3A_27] : memref<1x784x128xf32, #tpu.memory_space<vmem>>, vector<1x784x128xf32>
    %get3A_29 = vector.shape_cast %get3A_28 : vector<1x784x128xf32> to vector<784x128xf32>
    %get3A_30 = arith.constant 0 : index
    %get3A_31 = arith.constant 0 : index
    %get3A_32 = arith.constant 0 : index
    %get3A_33 = vector.load %arg11[%get3A_30, %get3A_31, %get3A_32] : memref<1x784x128xf32, #tpu.memory_space<vmem>>, vector<1x784x128xf32>
    %get3A_34 = vector.shape_cast %get3A_33 : vector<1x784x128xf32> to vector<784x128xf32>
    %get3A_35 = arith.constant 0 : index
    %get3A_36 = arith.constant 0 : index
    %get3A_37 = arith.constant 0 : index
    %get3A_38 = vector.load %arg12[%get3A_35, %get3A_36, %get3A_37] : memref<1x784x128xf32, #tpu.memory_space<vmem>>, vector<1x784x128xf32>
    %get3A_39 = vector.shape_cast %get3A_38 : vector<1x784x128xf32> to vector<784x128xf32>
    %iota3A_40 = tpu.iota {dimensions = array<i32: 0>} : vector<784x128xi32>
    %iota3A_41 = tpu.iota {dimensions = array<i32: 1>} : vector<784x128xi32>
    %jit3A = arith.constant 98 : i32
    %div3A = vector.broadcast %jit3A : i32 to vector<784x128xi32>
    %div3A_42 = arith.divsi %iota3A_40, %div3A : vector<784x128xi32>
    %sign3A = arith.constant 0 : i32
    %sign3A_43 = vector.broadcast %sign3A : i32 to vector<784x128xi32>
    %sign3A_44 = arith.cmpi sgt, %iota3A_40, %sign3A_43 : vector<784x128xi32>
    %sign3A_45 = arith.extui %sign3A_44 : vector<784x128xi1> to vector<784x128xi32>
    %sign3A_46 = arith.constant 0 : i32
    %sign3A_47 = vector.broadcast %sign3A_46 : i32 to vector<784x128xi32>
    %sign3A_48 = arith.cmpi slt, %iota3A_40, %sign3A_47 : vector<784x128xi32>
    %sign3A_49 = arith.extui %sign3A_48 : vector<784x128xi1> to vector<784x128xi32>
    %sign3A_50 = arith.subi %sign3A_45, %sign3A_49 : vector<784x128xi32>
    %sign3A_51 = arith.constant 0 : i32
    %sign3A_52 = arith.cmpi sgt, %jit3A, %sign3A_51 : i32
    %sign3A_53 = arith.extui %sign3A_52 : i1 to i32
    %sign3A_54 = arith.constant 0 : i32
    %sign3A_55 = arith.cmpi slt, %jit3A, %sign3A_54 : i32
    %sign3A_56 = arith.extui %sign3A_55 : i1 to i32
    %sign3A_57 = arith.subi %sign3A_53, %sign3A_56 : i32
    %ne3A = vector.broadcast %sign3A_57 : i32 to vector<784x128xi32>
    %ne3A_58 = arith.cmpi ne, %sign3A_50, %ne3A : vector<784x128xi32>
    %rem3A = vector.broadcast %jit3A : i32 to vector<784x128xi32>
    %rem3A_59 = arith.remsi %iota3A_40, %rem3A : vector<784x128xi32>
    %ne3A_60 = arith.constant 0 : i32
    %ne3A_61 = vector.broadcast %ne3A_60 : i32 to vector<784x128xi32>
    %ne3A_62 = arith.cmpi ne, %rem3A_59, %ne3A_61 : vector<784x128xi32>
    %and3A = arith.andi %ne3A_58, %ne3A_62 : vector<784x128xi1>
    %sub3A = arith.constant 1 : i32
    %sub3A_63 = vector.broadcast %sub3A : i32 to vector<784x128xi32>
    %sub3A_64 = arith.subi %div3A_42, %sub3A_63 : vector<784x128xi32>
    %select_n3A = arith.select %and3A, %sub3A_64, %div3A_42 : vector<784x128xi1>, vector<784x128xi32>
    %mul3A = arith.constant 12500 : i32
    %mul3A_65 = vector.broadcast %mul3A : i32 to vector<784x128xi32>
    %mul3A_66 = arith.muli %select_n3A, %mul3A_65 : vector<784x128xi32>
    %jit3A_67 = arith.constant 98 : i32
    %eq3A = arith.constant 0 : i32
    %eq3A_68 = arith.cmpi eq, %jit3A_67, %eq3A : i32
    %jit3A_69 = arith.constant 1 : i32
    %select_n3A_70 = arith.select %eq3A_68, %jit3A_69, %jit3A_67 : i32
    %rem3A_71 = vector.broadcast %select_n3A_70 : i32 to vector<784x128xi32>
    %rem3A_72 = arith.remsi %iota3A_40, %rem3A_71 : vector<784x128xi32>
    %ne3A_73 = arith.constant 0 : i32
    %ne3A_74 = vector.broadcast %ne3A_73 : i32 to vector<784x128xi32>
    %ne3A_75 = arith.cmpi ne, %rem3A_72, %ne3A_74 : vector<784x128xi32>
    %lt3A = arith.constant 0 : i32
    %lt3A_76 = vector.broadcast %lt3A : i32 to vector<784x128xi32>
    %lt3A_77 = arith.cmpi slt, %rem3A_72, %lt3A_76 : vector<784x128xi32>
    %lt3A_78 = arith.constant 0 : i32
    %lt3A_79 = arith.cmpi slt, %select_n3A_70, %lt3A_78 : i32
    %ne3A_80 = vector.broadcast %lt3A_79 : i1 to vector<784x128xi1>
    %ne3A_81 = vector.broadcast %ne3A_80 : vector<784x128xi1> to vector<784x128xi1>
    %ne3A_82 = arith.xori %lt3A_77, %ne3A_81 : vector<784x128xi1>
    %and3A_83 = arith.andi %ne3A_82, %ne3A_75 : vector<784x128xi1>
    %add3A = vector.broadcast %select_n3A_70 : i32 to vector<784x128xi32>
    %add3A_84 = arith.addi %rem3A_72, %add3A : vector<784x128xi32>
    %select_n3A_85 = arith.select %and3A_83, %add3A_84, %rem3A_72 : vector<784x128xi1>, vector<784x128xi32>
    %mul3A_86 = arith.constant 128 : i32
    %mul3A_87 = vector.broadcast %mul3A_86 : i32 to vector<784x128xi32>
    %mul3A_88 = arith.muli %select_n3A_85, %mul3A_87 : vector<784x128xi32>
    %add3A_89 = arith.addi %mul3A_66, %mul3A_88 : vector<784x128xi32>
    %add3A_90 = arith.addi %add3A_89, %iota3A_41 : vector<784x128xi32>
    %reduce_max3A = vector.shape_cast %get3A_4 : vector<784x128xf32> to vector<1x784x128xf32>
    %reduce_max3A_91 = arith.constant dense<0xFF800000> : vector<1xf32>
    %reduce_max3A_92 = vector.multi_reduction <maximumf>, %reduce_max3A, %reduce_max3A_91 [1, 2] : vector<1x784x128xf32> to vector<1xf32>
    %reduce_max3A_93 = vector.shape_cast %reduce_max3A_92 : vector<1xf32> to vector<1x1x1xf32>
    %reduce_max3A_94 = vector.extract %reduce_max3A_93[0, 0, 0] : f32 from vector<1x1x1xf32>
    %reduce_max3A_95 = vector.shape_cast %get3A_9 : vector<784x128xf32> to vector<1x784x128xf32>
    %reduce_max3A_96 = arith.constant dense<0xFF800000> : vector<1xf32>
    %reduce_max3A_97 = vector.multi_reduction <maximumf>, %reduce_max3A_95, %reduce_max3A_96 [1, 2] : vector<1x784x128xf32> to vector<1xf32>
    %reduce_max3A_98 = vector.shape_cast %reduce_max3A_97 : vector<1xf32> to vector<1x1x1xf32>
    %reduce_max3A_99 = vector.extract %reduce_max3A_98[0, 0, 0] : f32 from vector<1x1x1xf32>
    %reduce_max3A_100 = vector.shape_cast %get3A_14 : vector<784x128xf32> to vector<1x784x128xf32>
    %reduce_max3A_101 = arith.constant dense<0xFF800000> : vector<1xf32>
    %reduce_max3A_102 = vector.multi_reduction <maximumf>, %reduce_max3A_100, %reduce_max3A_101 [1, 2] : vector<1x784x128xf32> to vector<1xf32>
    %reduce_max3A_103 = vector.shape_cast %reduce_max3A_102 : vector<1xf32> to vector<1x1x1xf32>
    %reduce_max3A_104 = vector.extract %reduce_max3A_103[0, 0, 0] : f32 from vector<1x1x1xf32>
    %reduce_max3A_105 = vector.shape_cast %get3A_19 : vector<784x128xf32> to vector<1x784x128xf32>
    %reduce_max3A_106 = arith.constant dense<0xFF800000> : vector<1xf32>
    %reduce_max3A_107 = vector.multi_reduction <maximumf>, %reduce_max3A_105, %reduce_max3A_106 [1, 2] : vector<1x784x128xf32> to vector<1xf32>
    %reduce_max3A_108 = vector.shape_cast %reduce_max3A_107 : vector<1xf32> to vector<1x1x1xf32>
    %reduce_max3A_109 = vector.extract %reduce_max3A_108[0, 0, 0] : f32 from vector<1x1x1xf32>
    %reduce_max3A_110 = vector.shape_cast %get3A_24 : vector<784x128xf32> to vector<1x784x128xf32>
    %reduce_max3A_111 = arith.constant dense<0xFF800000> : vector<1xf32>
    %reduce_max3A_112 = vector.multi_reduction <maximumf>, %reduce_max3A_110, %reduce_max3A_111 [1, 2] : vector<1x784x128xf32> to vector<1xf32>
    %reduce_max3A_113 = vector.shape_cast %reduce_max3A_112 : vector<1xf32> to vector<1x1x1xf32>
    %reduce_max3A_114 = vector.extract %reduce_max3A_113[0, 0, 0] : f32 from vector<1x1x1xf32>
    %reduce_max3A_115 = vector.shape_cast %get3A_29 : vector<784x128xf32> to vector<1x784x128xf32>
    %reduce_max3A_116 = arith.constant dense<0xFF800000> : vector<1xf32>
    %reduce_max3A_117 = vector.multi_reduction <maximumf>, %reduce_max3A_115, %reduce_max3A_116 [1, 2] : vector<1x784x128xf32> to vector<1xf32>
    %reduce_max3A_118 = vector.shape_cast %reduce_max3A_117 : vector<1xf32> to vector<1x1x1xf32>
    %reduce_max3A_119 = vector.extract %reduce_max3A_118[0, 0, 0] : f32 from vector<1x1x1xf32>
    %reduce_max3A_120 = vector.shape_cast %get3A_34 : vector<784x128xf32> to vector<1x784x128xf32>
    %reduce_max3A_121 = arith.constant dense<0xFF800000> : vector<1xf32>
    %reduce_max3A_122 = vector.multi_reduction <maximumf>, %reduce_max3A_120, %reduce_max3A_121 [1, 2] : vector<1x784x128xf32> to vector<1xf32>
    %reduce_max3A_123 = vector.shape_cast %reduce_max3A_122 : vector<1xf32> to vector<1x1x1xf32>
    %reduce_max3A_124 = vector.extract %reduce_max3A_123[0, 0, 0] : f32 from vector<1x1x1xf32>
    %reduce_max3A_125 = vector.shape_cast %get3A_39 : vector<784x128xf32> to vector<1x784x128xf32>
    %reduce_max3A_126 = arith.constant dense<0xFF800000> : vector<1xf32>
    %reduce_max3A_127 = vector.multi_reduction <maximumf>, %reduce_max3A_125, %reduce_max3A_126 [1, 2] : vector<1x784x128xf32> to vector<1xf32>
    %reduce_max3A_128 = vector.shape_cast %reduce_max3A_127 : vector<1xf32> to vector<1x1x1xf32>
    %reduce_max3A_129 = vector.extract %reduce_max3A_128[0, 0, 0] : f32 from vector<1x1x1xf32>
    %eq3A_130 = vector.broadcast %reduce_max3A_94 : f32 to vector<784x128xf32>
    %eq3A_131 = arith.cmpf oeq, %get3A_4, %eq3A_130 : vector<784x128xf32>
    %jit3A_132 = arith.constant 1073741824 : i32
    %broadcast_in_dim3A = vector.broadcast %jit3A_132 : i32 to vector<784x128xi32>
    %select_n3A_133 = arith.select %eq3A_131, %add3A_90, %broadcast_in_dim3A : vector<784x128xi1>, vector<784x128xi32>
    %reduce_min3A = vector.shape_cast %select_n3A_133 : vector<784x128xi32> to vector<1x784x128xi32>
    %reduce_min3A_134 = arith.constant dense<2147483647> : vector<1xi32>
    %reduce_min3A_135 = vector.multi_reduction <minsi>, %reduce_min3A, %reduce_min3A_134 [1, 2] : vector<1x784x128xi32> to vector<1xi32>
    %reduce_min3A_136 = vector.shape_cast %reduce_min3A_135 : vector<1xi32> to vector<1x1x1xi32>
    %reduce_min3A_137 = vector.extract %reduce_min3A_136[0, 0, 0] : i32 from vector<1x1x1xi32>
    %eq3A_138 = vector.broadcast %reduce_max3A_99 : f32 to vector<784x128xf32>
    %eq3A_139 = arith.cmpf oeq, %get3A_9, %eq3A_138 : vector<784x128xf32>
    %jit3A_140 = arith.constant 1073741824 : i32
    %broadcast_in_dim3A_141 = vector.broadcast %jit3A_140 : i32 to vector<784x128xi32>
    %select_n3A_142 = arith.select %eq3A_139, %add3A_90, %broadcast_in_dim3A_141 : vector<784x128xi1>, vector<784x128xi32>
    %reduce_min3A_143 = vector.shape_cast %select_n3A_142 : vector<784x128xi32> to vector<1x784x128xi32>
    %reduce_min3A_144 = arith.constant dense<2147483647> : vector<1xi32>
    %reduce_min3A_145 = vector.multi_reduction <minsi>, %reduce_min3A_143, %reduce_min3A_144 [1, 2] : vector<1x784x128xi32> to vector<1xi32>
    %reduce_min3A_146 = vector.shape_cast %reduce_min3A_145 : vector<1xi32> to vector<1x1x1xi32>
    %reduce_min3A_147 = vector.extract %reduce_min3A_146[0, 0, 0] : i32 from vector<1x1x1xi32>
    %eq3A_148 = vector.broadcast %reduce_max3A_104 : f32 to vector<784x128xf32>
    %eq3A_149 = arith.cmpf oeq, %get3A_14, %eq3A_148 : vector<784x128xf32>
    %jit3A_150 = arith.constant 1073741824 : i32
    %broadcast_in_dim3A_151 = vector.broadcast %jit3A_150 : i32 to vector<784x128xi32>
    %select_n3A_152 = arith.select %eq3A_149, %add3A_90, %broadcast_in_dim3A_151 : vector<784x128xi1>, vector<784x128xi32>
    %reduce_min3A_153 = vector.shape_cast %select_n3A_152 : vector<784x128xi32> to vector<1x784x128xi32>
    %reduce_min3A_154 = arith.constant dense<2147483647> : vector<1xi32>
    %reduce_min3A_155 = vector.multi_reduction <minsi>, %reduce_min3A_153, %reduce_min3A_154 [1, 2] : vector<1x784x128xi32> to vector<1xi32>
    %reduce_min3A_156 = vector.shape_cast %reduce_min3A_155 : vector<1xi32> to vector<1x1x1xi32>
    %reduce_min3A_157 = vector.extract %reduce_min3A_156[0, 0, 0] : i32 from vector<1x1x1xi32>
    %eq3A_158 = vector.broadcast %reduce_max3A_109 : f32 to vector<784x128xf32>
    %eq3A_159 = arith.cmpf oeq, %get3A_19, %eq3A_158 : vector<784x128xf32>
    %jit3A_160 = arith.constant 1073741824 : i32
    %broadcast_in_dim3A_161 = vector.broadcast %jit3A_160 : i32 to vector<784x128xi32>
    %select_n3A_162 = arith.select %eq3A_159, %add3A_90, %broadcast_in_dim3A_161 : vector<784x128xi1>, vector<784x128xi32>
    %reduce_min3A_163 = vector.shape_cast %select_n3A_162 : vector<784x128xi32> to vector<1x784x128xi32>
    %reduce_min3A_164 = arith.constant dense<2147483647> : vector<1xi32>
    %reduce_min3A_165 = vector.multi_reduction <minsi>, %reduce_min3A_163, %reduce_min3A_164 [1, 2] : vector<1x784x128xi32> to vector<1xi32>
    %reduce_min3A_166 = vector.shape_cast %reduce_min3A_165 : vector<1xi32> to vector<1x1x1xi32>
    %reduce_min3A_167 = vector.extract %reduce_min3A_166[0, 0, 0] : i32 from vector<1x1x1xi32>
    %eq3A_168 = vector.broadcast %reduce_max3A_114 : f32 to vector<784x128xf32>
    %eq3A_169 = arith.cmpf oeq, %get3A_24, %eq3A_168 : vector<784x128xf32>
    %jit3A_170 = arith.constant 1073741824 : i32
    %broadcast_in_dim3A_171 = vector.broadcast %jit3A_170 : i32 to vector<784x128xi32>
    %select_n3A_172 = arith.select %eq3A_169, %add3A_90, %broadcast_in_dim3A_171 : vector<784x128xi1>, vector<784x128xi32>
    %reduce_min3A_173 = vector.shape_cast %select_n3A_172 : vector<784x128xi32> to vector<1x784x128xi32>
    %reduce_min3A_174 = arith.constant dense<2147483647> : vector<1xi32>
    %reduce_min3A_175 = vector.multi_reduction <minsi>, %reduce_min3A_173, %reduce_min3A_174 [1, 2] : vector<1x784x128xi32> to vector<1xi32>
    %reduce_min3A_176 = vector.shape_cast %reduce_min3A_175 : vector<1xi32> to vector<1x1x1xi32>
    %reduce_min3A_177 = vector.extract %reduce_min3A_176[0, 0, 0] : i32 from vector<1x1x1xi32>
    %eq3A_178 = vector.broadcast %reduce_max3A_119 : f32 to vector<784x128xf32>
    %eq3A_179 = arith.cmpf oeq, %get3A_29, %eq3A_178 : vector<784x128xf32>
    %jit3A_180 = arith.constant 1073741824 : i32
    %broadcast_in_dim3A_181 = vector.broadcast %jit3A_180 : i32 to vector<784x128xi32>
    %select_n3A_182 = arith.select %eq3A_179, %add3A_90, %broadcast_in_dim3A_181 : vector<784x128xi1>, vector<784x128xi32>
    %reduce_min3A_183 = vector.shape_cast %select_n3A_182 : vector<784x128xi32> to vector<1x784x128xi32>
    %reduce_min3A_184 = arith.constant dense<2147483647> : vector<1xi32>
    %reduce_min3A_185 = vector.multi_reduction <minsi>, %reduce_min3A_183, %reduce_min3A_184 [1, 2] : vector<1x784x128xi32> to vector<1xi32>
    %reduce_min3A_186 = vector.shape_cast %reduce_min3A_185 : vector<1xi32> to vector<1x1x1xi32>
    %reduce_min3A_187 = vector.extract %reduce_min3A_186[0, 0, 0] : i32 from vector<1x1x1xi32>
    %eq3A_188 = vector.broadcast %reduce_max3A_124 : f32 to vector<784x128xf32>
    %eq3A_189 = arith.cmpf oeq, %get3A_34, %eq3A_188 : vector<784x128xf32>
    %jit3A_190 = arith.constant 1073741824 : i32
    %broadcast_in_dim3A_191 = vector.broadcast %jit3A_190 : i32 to vector<784x128xi32>
    %select_n3A_192 = arith.select %eq3A_189, %add3A_90, %broadcast_in_dim3A_191 : vector<784x128xi1>, vector<784x128xi32>
    %reduce_min3A_193 = vector.shape_cast %select_n3A_192 : vector<784x128xi32> to vector<1x784x128xi32>
    %reduce_min3A_194 = arith.constant dense<2147483647> : vector<1xi32>
    %reduce_min3A_195 = vector.multi_reduction <minsi>, %reduce_min3A_193, %reduce_min3A_194 [1, 2] : vector<1x784x128xi32> to vector<1xi32>
    %reduce_min3A_196 = vector.shape_cast %reduce_min3A_195 : vector<1xi32> to vector<1x1x1xi32>
    %reduce_min3A_197 = vector.extract %reduce_min3A_196[0, 0, 0] : i32 from vector<1x1x1xi32>
    %eq3A_198 = vector.broadcast %reduce_max3A_129 : f32 to vector<784x128xf32>
    %eq3A_199 = arith.cmpf oeq, %get3A_39, %eq3A_198 : vector<784x128xf32>
    %jit3A_200 = arith.constant 1073741824 : i32
    %broadcast_in_dim3A_201 = vector.broadcast %jit3A_200 : i32 to vector<784x128xi32>
    %select_n3A_202 = arith.select %eq3A_199, %add3A_90, %broadcast_in_dim3A_201 : vector<784x128xi1>, vector<784x128xi32>
    %reduce_min3A_203 = vector.shape_cast %select_n3A_202 : vector<784x128xi32> to vector<1x784x128xi32>
    %reduce_min3A_204 = arith.constant dense<2147483647> : vector<1xi32>
    %reduce_min3A_205 = vector.multi_reduction <minsi>, %reduce_min3A_203, %reduce_min3A_204 [1, 2] : vector<1x784x128xi32> to vector<1xi32>
    %reduce_min3A_206 = vector.shape_cast %reduce_min3A_205 : vector<1xi32> to vector<1x1x1xi32>
    %reduce_min3A_207 = vector.extract %reduce_min3A_206[0, 0, 0] : i32 from vector<1x1x1xi32>
    %reshape3A = vector.shape_cast %get3A_4 : vector<784x128xf32> to vector<8x98x128xf32>
    %reduce_max3A_208 = arith.constant dense<0xFF800000> : vector<8x98xf32>
    %reduce_max3A_209 = vector.multi_reduction <maximumf>, %reshape3A, %reduce_max3A_208 [2] : vector<8x98x128xf32> to vector<8x98xf32>
    %reshape3A_210 = vector.shape_cast %get3A_9 : vector<784x128xf32> to vector<8x98x128xf32>
    %reduce_max3A_211 = arith.constant dense<0xFF800000> : vector<8x98xf32>
    %reduce_max3A_212 = vector.multi_reduction <maximumf>, %reshape3A_210, %reduce_max3A_211 [2] : vector<8x98x128xf32> to vector<8x98xf32>
    %reshape3A_213 = vector.shape_cast %get3A_14 : vector<784x128xf32> to vector<8x98x128xf32>
    %reduce_max3A_214 = arith.constant dense<0xFF800000> : vector<8x98xf32>
    %reduce_max3A_215 = vector.multi_reduction <maximumf>, %reshape3A_213, %reduce_max3A_214 [2] : vector<8x98x128xf32> to vector<8x98xf32>
    %reshape3A_216 = vector.shape_cast %get3A_19 : vector<784x128xf32> to vector<8x98x128xf32>
    %reduce_max3A_217 = arith.constant dense<0xFF800000> : vector<8x98xf32>
    %reduce_max3A_218 = vector.multi_reduction <maximumf>, %reshape3A_216, %reduce_max3A_217 [2] : vector<8x98x128xf32> to vector<8x98xf32>
    %reshape3A_219 = vector.shape_cast %get3A_24 : vector<784x128xf32> to vector<8x98x128xf32>
    %reduce_max3A_220 = arith.constant dense<0xFF800000> : vector<8x98xf32>
    %reduce_max3A_221 = vector.multi_reduction <maximumf>, %reshape3A_219, %reduce_max3A_220 [2] : vector<8x98x128xf32> to vector<8x98xf32>
    %reshape3A_222 = vector.shape_cast %get3A_29 : vector<784x128xf32> to vector<8x98x128xf32>
    %reduce_max3A_223 = arith.constant dense<0xFF800000> : vector<8x98xf32>
    %reduce_max3A_224 = vector.multi_reduction <maximumf>, %reshape3A_222, %reduce_max3A_223 [2] : vector<8x98x128xf32> to vector<8x98xf32>
    %reshape3A_225 = vector.shape_cast %get3A_34 : vector<784x128xf32> to vector<8x98x128xf32>
    %reduce_max3A_226 = arith.constant dense<0xFF800000> : vector<8x98xf32>
    %reduce_max3A_227 = vector.multi_reduction <maximumf>, %reshape3A_225, %reduce_max3A_226 [2] : vector<8x98x128xf32> to vector<8x98xf32>
    %reshape3A_228 = vector.shape_cast %get3A_39 : vector<784x128xf32> to vector<8x98x128xf32>
    %reduce_max3A_229 = arith.constant dense<0xFF800000> : vector<8x98xf32>
    %reduce_max3A_230 = vector.multi_reduction <maximumf>, %reshape3A_228, %reduce_max3A_229 [2] : vector<8x98x128xf32> to vector<8x98xf32>
    %iota3A_231 = tpu.iota {dimensions = array<i32: 0>} : vector<8x98xi32>
    %iota3A_232 = tpu.iota {dimensions = array<i32: 1>} : vector<8x98xi32>
    %mul3A_233 = arith.constant 98 : i32
    %mul3A_234 = vector.broadcast %mul3A_233 : i32 to vector<8x98xi32>
    %mul3A_235 = arith.muli %iota3A_231, %mul3A_234 : vector<8x98xi32>
    %add3A_236 = arith.addi %mul3A_235, %iota3A_232 : vector<8x98xi32>
    %broadcast_in_dim3A_237 = arith.constant 0xFF800000 : f32
    %broadcast_in_dim3A_238 = vector.broadcast %broadcast_in_dim3A_237 : f32 to vector<8x128xf32>
    %broadcast_in_dim3A_239 = arith.constant 0.000000e+00 : f32
    %broadcast_in_dim3A_240 = vector.broadcast %broadcast_in_dim3A_239 : f32 to vector<8x128xf32>
    %scan3A = arith.constant 0 : i32
    %scan3A_241 = arith.constant 63 : i32
    %scan3A_242 = arith.addi %scan3A, %scan3A_241 : i32
    %scan3A_243 = arith.constant 1 : i32
    %scan3A_244:18 = scf.for %scan3A_652 = %scan3A to %scan3A_242 step %scan3A_243 iter_args(%scan3A_653 = %reduce_max3A_94, %scan3A_654 = %reduce_max3A_99, %scan3A_655 = %reduce_max3A_104, %scan3A_656 = %reduce_max3A_109, %scan3A_657 = %reduce_max3A_114, %scan3A_658 = %reduce_max3A_119, %scan3A_659 = %reduce_max3A_124, %scan3A_660 = %reduce_max3A_129, %scan3A_661 = %reduce_max3A_209, %scan3A_662 = %reduce_max3A_212, %scan3A_663 = %reduce_max3A_215, %scan3A_664 = %reduce_max3A_218, %scan3A_665 = %reduce_max3A_221, %scan3A_666 = %reduce_max3A_224, %scan3A_667 = %reduce_max3A_227, %scan3A_668 = %reduce_max3A_230, %scan3A_669 = %broadcast_in_dim3A_238, %scan3A_670 = %broadcast_in_dim3A_240) -> (f32, f32, f32, f32, f32, f32, f32, f32, vector<8x98xf32>, vector<8x98xf32>, vector<8x98xf32>, vector<8x98xf32>, vector<8x98xf32>, vector<8x98xf32>, vector<8x98xf32>, vector<8x98xf32>, vector<8x128xf32>, vector<8x128xf32>)  : i32 {
      %eq3A_671 = vector.broadcast %scan3A_653 : f32 to vector<8x98xf32>
      %eq3A_672 = arith.cmpf oeq, %scan3A_661, %eq3A_671 : vector<8x98xf32>
      %jit3A_673 = arith.constant 1073741824 : i32
      %broadcast_in_dim3A_674 = vector.broadcast %jit3A_673 : i32 to vector<8x98xi32>
      %select_n3A_675 = arith.select %eq3A_672, %add3A_236, %broadcast_in_dim3A_674 : vector<8x98xi1>, vector<8x98xi32>
      %reduce_min3A_676 = vector.shape_cast %select_n3A_675 : vector<8x98xi32> to vector<1x8x98xi32>
      %reduce_min3A_677 = arith.constant dense<2147483647> : vector<1xi32>
      %reduce_min3A_678 = vector.multi_reduction <minsi>, %reduce_min3A_676, %reduce_min3A_677 [1, 2] : vector<1x8x98xi32> to vector<1xi32>
      %reduce_min3A_679 = vector.shape_cast %reduce_min3A_678 : vector<1xi32> to vector<1x1x1xi32>
      %reduce_min3A_680 = vector.extract %reduce_min3A_679[0, 0, 0] : i32 from vector<1x1x1xi32>
      %get3A_681 = arith.constant 0 : index
      %get3A_682 = arith.index_cast %reduce_min3A_680 : i32 to index
      %get3A_683 = arith.constant 0 : index
      %get3A_684 = vector.load %arg5[%get3A_681, %get3A_682, %get3A_683] : memref<1x784x128xf32, #tpu.memory_space<vmem>>, vector<1x1x128xf32>
      %get3A_685 = vector.shape_cast %get3A_684 : vector<1x1x128xf32> to vector<128xf32>
      %eq3A_686 = vector.broadcast %scan3A_653 : f32 to vector<128xf32>
      %eq3A_687 = arith.cmpf oeq, %get3A_685, %eq3A_686 : vector<128xf32>
      %jit3A_688 = arith.constant 1.000000e+00 : f32
      %jit3A_689 = arith.constant 0.000000e+00 : f32
      %broadcast_in_dim3A_690 = vector.broadcast %jit3A_688 : f32 to vector<128xf32>
      %broadcast_in_dim3A_691 = vector.broadcast %jit3A_689 : f32 to vector<128xf32>
      %select_n3A_692 = arith.select %eq3A_687, %broadcast_in_dim3A_690, %broadcast_in_dim3A_691 : vector<128xi1>, vector<128xf32>
      %reduce_sum3A_693 = vector.shape_cast %select_n3A_692 : vector<128xf32> to vector<1x128xf32>
      %reduce_sum3A_694 = arith.constant dense<0.000000e+00> : vector<1xf32>
      %reduce_sum3A_695 = vector.multi_reduction <add>, %reduce_sum3A_693, %reduce_sum3A_694 [1] : vector<1x128xf32> to vector<1xf32>
      %reduce_sum3A_696 = vector.shape_cast %reduce_sum3A_695 : vector<1xf32> to vector<1x1xf32>
      %reduce_sum3A_697 = vector.extract %reduce_sum3A_696[0, 0] : f32 from vector<1x1xf32>
      %lt3A_698 = vector.broadcast %scan3A_653 : f32 to vector<128xf32>
      %lt3A_699 = arith.cmpf olt, %get3A_685, %lt3A_698 : vector<128xf32>
      %jit3A_700 = arith.constant 0xFF800000 : f32
      %broadcast_in_dim3A_701 = vector.broadcast %jit3A_700 : f32 to vector<128xf32>
      %select_n3A_702 = arith.select %lt3A_699, %get3A_685, %broadcast_in_dim3A_701 : vector<128xi1>, vector<128xf32>
      %reduce_max3A_703 = vector.shape_cast %select_n3A_702 : vector<128xf32> to vector<1x128xf32>
      %reduce_max3A_704 = arith.constant dense<0xFF800000> : vector<1xf32>
      %reduce_max3A_705 = vector.multi_reduction <maximumf>, %reduce_max3A_703, %reduce_max3A_704 [1] : vector<1x128xf32> to vector<1xf32>
      %reduce_max3A_706 = vector.shape_cast %reduce_max3A_705 : vector<1xf32> to vector<1x1xf32>
      %reduce_max3A_707 = vector.extract %reduce_max3A_706[0, 0] : f32 from vector<1x1xf32>
      %eq3A_708 = vector.broadcast %reduce_min3A_680 : i32 to vector<8x98xi32>
      %eq3A_709 = arith.cmpi eq, %add3A_236, %eq3A_708 : vector<8x98xi32>
      %broadcast_in_dim3A_710 = vector.broadcast %reduce_max3A_707 : f32 to vector<8x98xf32>
      %select_n3A_711 = arith.select %eq3A_709, %broadcast_in_dim3A_710, %scan3A_661 : vector<8x98xi1>, vector<8x98xf32>
      %eq3A_712 = arith.constant 0 : i32
      %eq3A_713 = vector.broadcast %eq3A_712 : i32 to vector<8x128xi32>
      %eq3A_714 = arith.cmpi eq, %iota3A_0, %eq3A_713 : vector<8x128xi32>
      %eq3A_715 = vector.broadcast %scan3A_652 : i32 to vector<1x128xi32>
      %eq3A_716 = arith.cmpi eq, %iota3A, %eq3A_715 : vector<1x128xi32>
      %and3A_717 = vector.broadcast %eq3A_716 : vector<1x128xi1> to vector<8x128xi1>
      %and3A_718 = arith.andi %eq3A_714, %and3A_717 : vector<8x128xi1>
      %broadcast_in_dim3A_719 = vector.broadcast %scan3A_653 : f32 to vector<8x128xf32>
      %select_n3A_720 = arith.select %and3A_718, %broadcast_in_dim3A_719, %scan3A_669 : vector<8x128xi1>, vector<8x128xf32>
      %eq3A_721 = arith.constant 0 : i32
      %eq3A_722 = vector.broadcast %eq3A_721 : i32 to vector<8x128xi32>
      %eq3A_723 = arith.cmpi eq, %iota3A_0, %eq3A_722 : vector<8x128xi32>
      %eq3A_724 = vector.broadcast %scan3A_652 : i32 to vector<1x128xi32>
      %eq3A_725 = arith.cmpi eq, %iota3A, %eq3A_724 : vector<1x128xi32>
      %and3A_726 = vector.broadcast %eq3A_725 : vector<1x128xi1> to vector<8x128xi1>
      %and3A_727 = arith.andi %eq3A_723, %and3A_726 : vector<8x128xi1>
      %broadcast_in_dim3A_728 = vector.broadcast %reduce_sum3A_697 : f32 to vector<8x128xf32>
      %select_n3A_729 = arith.select %and3A_727, %broadcast_in_dim3A_728, %scan3A_670 : vector<8x128xi1>, vector<8x128xf32>
      %reduce_max3A_730 = vector.shape_cast %select_n3A_711 : vector<8x98xf32> to vector<1x8x98xf32>
      %reduce_max3A_731 = arith.constant dense<0xFF800000> : vector<1xf32>
      %reduce_max3A_732 = vector.multi_reduction <maximumf>, %reduce_max3A_730, %reduce_max3A_731 [1, 2] : vector<1x8x98xf32> to vector<1xf32>
      %reduce_max3A_733 = vector.shape_cast %reduce_max3A_732 : vector<1xf32> to vector<1x1x1xf32>
      %reduce_max3A_734 = vector.extract %reduce_max3A_733[0, 0, 0] : f32 from vector<1x1x1xf32>
      %eq3A_735 = vector.broadcast %scan3A_654 : f32 to vector<8x98xf32>
      %eq3A_736 = arith.cmpf oeq, %scan3A_662, %eq3A_735 : vector<8x98xf32>
      %jit3A_737 = arith.constant 1073741824 : i32
      %broadcast_in_dim3A_738 = vector.broadcast %jit3A_737 : i32 to vector<8x98xi32>
      %select_n3A_739 = arith.select %eq3A_736, %add3A_236, %broadcast_in_dim3A_738 : vector<8x98xi1>, vector<8x98xi32>
      %reduce_min3A_740 = vector.shape_cast %select_n3A_739 : vector<8x98xi32> to vector<1x8x98xi32>
      %reduce_min3A_741 = arith.constant dense<2147483647> : vector<1xi32>
      %reduce_min3A_742 = vector.multi_reduction <minsi>, %reduce_min3A_740, %reduce_min3A_741 [1, 2] : vector<1x8x98xi32> to vector<1xi32>
      %reduce_min3A_743 = vector.shape_cast %reduce_min3A_742 : vector<1xi32> to vector<1x1x1xi32>
      %reduce_min3A_744 = vector.extract %reduce_min3A_743[0, 0, 0] : i32 from vector<1x1x1xi32>
      %get3A_745 = arith.constant 0 : index
      %get3A_746 = arith.index_cast %reduce_min3A_744 : i32 to index
      %get3A_747 = arith.constant 0 : index
      %get3A_748 = vector.load %arg6[%get3A_745, %get3A_746, %get3A_747] : memref<1x784x128xf32, #tpu.memory_space<vmem>>, vector<1x1x128xf32>
      %get3A_749 = vector.shape_cast %get3A_748 : vector<1x1x128xf32> to vector<128xf32>
      %eq3A_750 = vector.broadcast %scan3A_654 : f32 to vector<128xf32>
      %eq3A_751 = arith.cmpf oeq, %get3A_749, %eq3A_750 : vector<128xf32>
      %jit3A_752 = arith.constant 1.000000e+00 : f32
      %jit3A_753 = arith.constant 0.000000e+00 : f32
      %broadcast_in_dim3A_754 = vector.broadcast %jit3A_752 : f32 to vector<128xf32>
      %broadcast_in_dim3A_755 = vector.broadcast %jit3A_753 : f32 to vector<128xf32>
      %select_n3A_756 = arith.select %eq3A_751, %broadcast_in_dim3A_754, %broadcast_in_dim3A_755 : vector<128xi1>, vector<128xf32>
      %reduce_sum3A_757 = vector.shape_cast %select_n3A_756 : vector<128xf32> to vector<1x128xf32>
      %reduce_sum3A_758 = arith.constant dense<0.000000e+00> : vector<1xf32>
      %reduce_sum3A_759 = vector.multi_reduction <add>, %reduce_sum3A_757, %reduce_sum3A_758 [1] : vector<1x128xf32> to vector<1xf32>
      %reduce_sum3A_760 = vector.shape_cast %reduce_sum3A_759 : vector<1xf32> to vector<1x1xf32>
      %reduce_sum3A_761 = vector.extract %reduce_sum3A_760[0, 0] : f32 from vector<1x1xf32>
      %lt3A_762 = vector.broadcast %scan3A_654 : f32 to vector<128xf32>
      %lt3A_763 = arith.cmpf olt, %get3A_749, %lt3A_762 : vector<128xf32>
      %jit3A_764 = arith.constant 0xFF800000 : f32
      %broadcast_in_dim3A_765 = vector.broadcast %jit3A_764 : f32 to vector<128xf32>
      %select_n3A_766 = arith.select %lt3A_763, %get3A_749, %broadcast_in_dim3A_765 : vector<128xi1>, vector<128xf32>
      %reduce_max3A_767 = vector.shape_cast %select_n3A_766 : vector<128xf32> to vector<1x128xf32>
      %reduce_max3A_768 = arith.constant dense<0xFF800000> : vector<1xf32>
      %reduce_max3A_769 = vector.multi_reduction <maximumf>, %reduce_max3A_767, %reduce_max3A_768 [1] : vector<1x128xf32> to vector<1xf32>
      %reduce_max3A_770 = vector.shape_cast %reduce_max3A_769 : vector<1xf32> to vector<1x1xf32>
      %reduce_max3A_771 = vector.extract %reduce_max3A_770[0, 0] : f32 from vector<1x1xf32>
      %eq3A_772 = vector.broadcast %reduce_min3A_744 : i32 to vector<8x98xi32>
      %eq3A_773 = arith.cmpi eq, %add3A_236, %eq3A_772 : vector<8x98xi32>
      %broadcast_in_dim3A_774 = vector.broadcast %reduce_max3A_771 : f32 to vector<8x98xf32>
      %select_n3A_775 = arith.select %eq3A_773, %broadcast_in_dim3A_774, %scan3A_662 : vector<8x98xi1>, vector<8x98xf32>
      %eq3A_776 = arith.constant 1 : i32
      %eq3A_777 = vector.broadcast %eq3A_776 : i32 to vector<8x128xi32>
      %eq3A_778 = arith.cmpi eq, %iota3A_0, %eq3A_777 : vector<8x128xi32>
      %eq3A_779 = vector.broadcast %scan3A_652 : i32 to vector<1x128xi32>
      %eq3A_780 = arith.cmpi eq, %iota3A, %eq3A_779 : vector<1x128xi32>
      %and3A_781 = vector.broadcast %eq3A_780 : vector<1x128xi1> to vector<8x128xi1>
      %and3A_782 = arith.andi %eq3A_778, %and3A_781 : vector<8x128xi1>
      %broadcast_in_dim3A_783 = vector.broadcast %scan3A_654 : f32 to vector<8x128xf32>
      %select_n3A_784 = arith.select %and3A_782, %broadcast_in_dim3A_783, %select_n3A_720 : vector<8x128xi1>, vector<8x128xf32>
      %eq3A_785 = arith.constant 1 : i32
      %eq3A_786 = vector.broadcast %eq3A_785 : i32 to vector<8x128xi32>
      %eq3A_787 = arith.cmpi eq, %iota3A_0, %eq3A_786 : vector<8x128xi32>
      %eq3A_788 = vector.broadcast %scan3A_652 : i32 to vector<1x128xi32>
      %eq3A_789 = arith.cmpi eq, %iota3A, %eq3A_788 : vector<1x128xi32>
      %and3A_790 = vector.broadcast %eq3A_789 : vector<1x128xi1> to vector<8x128xi1>
      %and3A_791 = arith.andi %eq3A_787, %and3A_790 : vector<8x128xi1>
      %broadcast_in_dim3A_792 = vector.broadcast %reduce_sum3A_761 : f32 to vector<8x128xf32>
      %select_n3A_793 = arith.select %and3A_791, %broadcast_in_dim3A_792, %select_n3A_729 : vector<8x128xi1>, vector<8x128xf32>
      %reduce_max3A_794 = vector.shape_cast %select_n3A_775 : vector<8x98xf32> to vector<1x8x98xf32>
      %reduce_max3A_795 = arith.constant dense<0xFF800000> : vector<1xf32>
      %reduce_max3A_796 = vector.multi_reduction <maximumf>, %reduce_max3A_794, %reduce_max3A_795 [1, 2] : vector<1x8x98xf32> to vector<1xf32>
      %reduce_max3A_797 = vector.shape_cast %reduce_max3A_796 : vector<1xf32> to vector<1x1x1xf32>
      %reduce_max3A_798 = vector.extract %reduce_max3A_797[0, 0, 0] : f32 from vector<1x1x1xf32>
      %eq3A_799 = vector.broadcast %scan3A_655 : f32 to vector<8x98xf32>
      %eq3A_800 = arith.cmpf oeq, %scan3A_663, %eq3A_799 : vector<8x98xf32>
      %jit3A_801 = arith.constant 1073741824 : i32
      %broadcast_in_dim3A_802 = vector.broadcast %jit3A_801 : i32 to vector<8x98xi32>
      %select_n3A_803 = arith.select %eq3A_800, %add3A_236, %broadcast_in_dim3A_802 : vector<8x98xi1>, vector<8x98xi32>
      %reduce_min3A_804 = vector.shape_cast %select_n3A_803 : vector<8x98xi32> to vector<1x8x98xi32>
      %reduce_min3A_805 = arith.constant dense<2147483647> : vector<1xi32>
      %reduce_min3A_806 = vector.multi_reduction <minsi>, %reduce_min3A_804, %reduce_min3A_805 [1, 2] : vector<1x8x98xi32> to vector<1xi32>
      %reduce_min3A_807 = vector.shape_cast %reduce_min3A_806 : vector<1xi32> to vector<1x1x1xi32>
      %reduce_min3A_808 = vector.extract %reduce_min3A_807[0, 0, 0] : i32 from vector<1x1x1xi32>
      %get3A_809 = arith.constant 0 : index
      %get3A_810 = arith.index_cast %reduce_min3A_808 : i32 to index
      %get3A_811 = arith.constant 0 : index
      %get3A_812 = vector.load %arg7[%get3A_809, %get3A_810, %get3A_811] : memref<1x784x128xf32, #tpu.memory_space<vmem>>, vector<1x1x128xf32>
      %get3A_813 = vector.shape_cast %get3A_812 : vector<1x1x128xf32> to vector<128xf32>
      %eq3A_814 = vector.broadcast %scan3A_655 : f32 to vector<128xf32>
      %eq3A_815 = arith.cmpf oeq, %get3A_813, %eq3A_814 : vector<128xf32>
      %jit3A_816 = arith.constant 1.000000e+00 : f32
      %jit3A_817 = arith.constant 0.000000e+00 : f32
      %broadcast_in_dim3A_818 = vector.broadcast %jit3A_816 : f32 to vector<128xf32>
      %broadcast_in_dim3A_819 = vector.broadcast %jit3A_817 : f32 to vector<128xf32>
      %select_n3A_820 = arith.select %eq3A_815, %broadcast_in_dim3A_818, %broadcast_in_dim3A_819 : vector<128xi1>, vector<128xf32>
      %reduce_sum3A_821 = vector.shape_cast %select_n3A_820 : vector<128xf32> to vector<1x128xf32>
      %reduce_sum3A_822 = arith.constant dense<0.000000e+00> : vector<1xf32>
      %reduce_sum3A_823 = vector.multi_reduction <add>, %reduce_sum3A_821, %reduce_sum3A_822 [1] : vector<1x128xf32> to vector<1xf32>
      %reduce_sum3A_824 = vector.shape_cast %reduce_sum3A_823 : vector<1xf32> to vector<1x1xf32>
      %reduce_sum3A_825 = vector.extract %reduce_sum3A_824[0, 0] : f32 from vector<1x1xf32>
      %lt3A_826 = vector.broadcast %scan3A_655 : f32 to vector<128xf32>
      %lt3A_827 = arith.cmpf olt, %get3A_813, %lt3A_826 : vector<128xf32>
      %jit3A_828 = arith.constant 0xFF800000 : f32
      %broadcast_in_dim3A_829 = vector.broadcast %jit3A_828 : f32 to vector<128xf32>
      %select_n3A_830 = arith.select %lt3A_827, %get3A_813, %broadcast_in_dim3A_829 : vector<128xi1>, vector<128xf32>
      %reduce_max3A_831 = vector.shape_cast %select_n3A_830 : vector<128xf32> to vector<1x128xf32>
      %reduce_max3A_832 = arith.constant dense<0xFF800000> : vector<1xf32>
      %reduce_max3A_833 = vector.multi_reduction <maximumf>, %reduce_max3A_831, %reduce_max3A_832 [1] : vector<1x128xf32> to vector<1xf32>
      %reduce_max3A_834 = vector.shape_cast %reduce_max3A_833 : vector<1xf32> to vector<1x1xf32>
      %reduce_max3A_835 = vector.extract %reduce_max3A_834[0, 0] : f32 from vector<1x1xf32>
      %eq3A_836 = vector.broadcast %reduce_min3A_808 : i32 to vector<8x98xi32>
      %eq3A_837 = arith.cmpi eq, %add3A_236, %eq3A_836 : vector<8x98xi32>
      %broadcast_in_dim3A_838 = vector.broadcast %reduce_max3A_835 : f32 to vector<8x98xf32>
      %select_n3A_839 = arith.select %eq3A_837, %broadcast_in_dim3A_838, %scan3A_663 : vector<8x98xi1>, vector<8x98xf32>
      %eq3A_840 = arith.constant 2 : i32
      %eq3A_841 = vector.broadcast %eq3A_840 : i32 to vector<8x128xi32>
      %eq3A_842 = arith.cmpi eq, %iota3A_0, %eq3A_841 : vector<8x128xi32>
      %eq3A_843 = vector.broadcast %scan3A_652 : i32 to vector<1x128xi32>
      %eq3A_844 = arith.cmpi eq, %iota3A, %eq3A_843 : vector<1x128xi32>
      %and3A_845 = vector.broadcast %eq3A_844 : vector<1x128xi1> to vector<8x128xi1>
      %and3A_846 = arith.andi %eq3A_842, %and3A_845 : vector<8x128xi1>
      %broadcast_in_dim3A_847 = vector.broadcast %scan3A_655 : f32 to vector<8x128xf32>
      %select_n3A_848 = arith.select %and3A_846, %broadcast_in_dim3A_847, %select_n3A_784 : vector<8x128xi1>, vector<8x128xf32>
      %eq3A_849 = arith.constant 2 : i32
      %eq3A_850 = vector.broadcast %eq3A_849 : i32 to vector<8x128xi32>
      %eq3A_851 = arith.cmpi eq, %iota3A_0, %eq3A_850 : vector<8x128xi32>
      %eq3A_852 = vector.broadcast %scan3A_652 : i32 to vector<1x128xi32>
      %eq3A_853 = arith.cmpi eq, %iota3A, %eq3A_852 : vector<1x128xi32>
      %and3A_854 = vector.broadcast %eq3A_853 : vector<1x128xi1> to vector<8x128xi1>
      %and3A_855 = arith.andi %eq3A_851, %and3A_854 : vector<8x128xi1>
      %broadcast_in_dim3A_856 = vector.broadcast %reduce_sum3A_825 : f32 to vector<8x128xf32>
      %select_n3A_857 = arith.select %and3A_855, %broadcast_in_dim3A_856, %select_n3A_793 : vector<8x128xi1>, vector<8x128xf32>
      %reduce_max3A_858 = vector.shape_cast %select_n3A_839 : vector<8x98xf32> to vector<1x8x98xf32>
      %reduce_max3A_859 = arith.constant dense<0xFF800000> : vector<1xf32>
      %reduce_max3A_860 = vector.multi_reduction <maximumf>, %reduce_max3A_858, %reduce_max3A_859 [1, 2] : vector<1x8x98xf32> to vector<1xf32>
      %reduce_max3A_861 = vector.shape_cast %reduce_max3A_860 : vector<1xf32> to vector<1x1x1xf32>
      %reduce_max3A_862 = vector.extract %reduce_max3A_861[0, 0, 0] : f32 from vector<1x1x1xf32>
      %eq3A_863 = vector.broadcast %scan3A_656 : f32 to vector<8x98xf32>
      %eq3A_864 = arith.cmpf oeq, %scan3A_664, %eq3A_863 : vector<8x98xf32>
      %jit3A_865 = arith.constant 1073741824 : i32
      %broadcast_in_dim3A_866 = vector.broadcast %jit3A_865 : i32 to vector<8x98xi32>
      %select_n3A_867 = arith.select %eq3A_864, %add3A_236, %broadcast_in_dim3A_866 : vector<8x98xi1>, vector<8x98xi32>
      %reduce_min3A_868 = vector.shape_cast %select_n3A_867 : vector<8x98xi32> to vector<1x8x98xi32>
      %reduce_min3A_869 = arith.constant dense<2147483647> : vector<1xi32>
      %reduce_min3A_870 = vector.multi_reduction <minsi>, %reduce_min3A_868, %reduce_min3A_869 [1, 2] : vector<1x8x98xi32> to vector<1xi32>
      %reduce_min3A_871 = vector.shape_cast %reduce_min3A_870 : vector<1xi32> to vector<1x1x1xi32>
      %reduce_min3A_872 = vector.extract %reduce_min3A_871[0, 0, 0] : i32 from vector<1x1x1xi32>
      %get3A_873 = arith.constant 0 : index
      %get3A_874 = arith.index_cast %reduce_min3A_872 : i32 to index
      %get3A_875 = arith.constant 0 : index
      %get3A_876 = vector.load %arg8[%get3A_873, %get3A_874, %get3A_875] : memref<1x784x128xf32, #tpu.memory_space<vmem>>, vector<1x1x128xf32>
      %get3A_877 = vector.shape_cast %get3A_876 : vector<1x1x128xf32> to vector<128xf32>
      %eq3A_878 = vector.broadcast %scan3A_656 : f32 to vector<128xf32>
      %eq3A_879 = arith.cmpf oeq, %get3A_877, %eq3A_878 : vector<128xf32>
      %jit3A_880 = arith.constant 1.000000e+00 : f32
      %jit3A_881 = arith.constant 0.000000e+00 : f32
      %broadcast_in_dim3A_882 = vector.broadcast %jit3A_880 : f32 to vector<128xf32>
      %broadcast_in_dim3A_883 = vector.broadcast %jit3A_881 : f32 to vector<128xf32>
      %select_n3A_884 = arith.select %eq3A_879, %broadcast_in_dim3A_882, %broadcast_in_dim3A_883 : vector<128xi1>, vector<128xf32>
      %reduce_sum3A_885 = vector.shape_cast %select_n3A_884 : vector<128xf32> to vector<1x128xf32>
      %reduce_sum3A_886 = arith.constant dense<0.000000e+00> : vector<1xf32>
      %reduce_sum3A_887 = vector.multi_reduction <add>, %reduce_sum3A_885, %reduce_sum3A_886 [1] : vector<1x128xf32> to vector<1xf32>
      %reduce_sum3A_888 = vector.shape_cast %reduce_sum3A_887 : vector<1xf32> to vector<1x1xf32>
      %reduce_sum3A_889 = vector.extract %reduce_sum3A_888[0, 0] : f32 from vector<1x1xf32>
      %lt3A_890 = vector.broadcast %scan3A_656 : f32 to vector<128xf32>
      %lt3A_891 = arith.cmpf olt, %get3A_877, %lt3A_890 : vector<128xf32>
      %jit3A_892 = arith.constant 0xFF800000 : f32
      %broadcast_in_dim3A_893 = vector.broadcast %jit3A_892 : f32 to vector<128xf32>
      %select_n3A_894 = arith.select %lt3A_891, %get3A_877, %broadcast_in_dim3A_893 : vector<128xi1>, vector<128xf32>
      %reduce_max3A_895 = vector.shape_cast %select_n3A_894 : vector<128xf32> to vector<1x128xf32>
      %reduce_max3A_896 = arith.constant dense<0xFF800000> : vector<1xf32>
      %reduce_max3A_897 = vector.multi_reduction <maximumf>, %reduce_max3A_895, %reduce_max3A_896 [1] : vector<1x128xf32> to vector<1xf32>
      %reduce_max3A_898 = vector.shape_cast %reduce_max3A_897 : vector<1xf32> to vector<1x1xf32>
      %reduce_max3A_899 = vector.extract %reduce_max3A_898[0, 0] : f32 from vector<1x1xf32>
      %eq3A_900 = vector.broadcast %reduce_min3A_872 : i32 to vector<8x98xi32>
      %eq3A_901 = arith.cmpi eq, %add3A_236, %eq3A_900 : vector<8x98xi32>
      %broadcast_in_dim3A_902 = vector.broadcast %reduce_max3A_899 : f32 to vector<8x98xf32>
      %select_n3A_903 = arith.select %eq3A_901, %broadcast_in_dim3A_902, %scan3A_664 : vector<8x98xi1>, vector<8x98xf32>
      %eq3A_904 = arith.constant 3 : i32
      %eq3A_905 = vector.broadcast %eq3A_904 : i32 to vector<8x128xi32>
      %eq3A_906 = arith.cmpi eq, %iota3A_0, %eq3A_905 : vector<8x128xi32>
      %eq3A_907 = vector.broadcast %scan3A_652 : i32 to vector<1x128xi32>
      %eq3A_908 = arith.cmpi eq, %iota3A, %eq3A_907 : vector<1x128xi32>
      %and3A_909 = vector.broadcast %eq3A_908 : vector<1x128xi1> to vector<8x128xi1>
      %and3A_910 = arith.andi %eq3A_906, %and3A_909 : vector<8x128xi1>
      %broadcast_in_dim3A_911 = vector.broadcast %scan3A_656 : f32 to vector<8x128xf32>
      %select_n3A_912 = arith.select %and3A_910, %broadcast_in_dim3A_911, %select_n3A_848 : vector<8x128xi1>, vector<8x128xf32>
      %eq3A_913 = arith.constant 3 : i32
      %eq3A_914 = vector.broadcast %eq3A_913 : i32 to vector<8x128xi32>
      %eq3A_915 = arith.cmpi eq, %iota3A_0, %eq3A_914 : vector<8x128xi32>
      %eq3A_916 = vector.broadcast %scan3A_652 : i32 to vector<1x128xi32>
      %eq3A_917 = arith.cmpi eq, %iota3A, %eq3A_916 : vector<1x128xi32>
      %and3A_918 = vector.broadcast %eq3A_917 : vector<1x128xi1> to vector<8x128xi1>
      %and3A_919 = arith.andi %eq3A_915, %and3A_918 : vector<8x128xi1>
      %broadcast_in_dim3A_920 = vector.broadcast %reduce_sum3A_889 : f32 to vector<8x128xf32>
      %select_n3A_921 = arith.select %and3A_919, %broadcast_in_dim3A_920, %select_n3A_857 : vector<8x128xi1>, vector<8x128xf32>
      %reduce_max3A_922 = vector.shape_cast %select_n3A_903 : vector<8x98xf32> to vector<1x8x98xf32>
      %reduce_max3A_923 = arith.constant dense<0xFF800000> : vector<1xf32>
      %reduce_max3A_924 = vector.multi_reduction <maximumf>, %reduce_max3A_922, %reduce_max3A_923 [1, 2] : vector<1x8x98xf32> to vector<1xf32>
      %reduce_max3A_925 = vector.shape_cast %reduce_max3A_924 : vector<1xf32> to vector<1x1x1xf32>
      %reduce_max3A_926 = vector.extract %reduce_max3A_925[0, 0, 0] : f32 from vector<1x1x1xf32>
      %eq3A_927 = vector.broadcast %scan3A_657 : f32 to vector<8x98xf32>
      %eq3A_928 = arith.cmpf oeq, %scan3A_665, %eq3A_927 : vector<8x98xf32>
      %jit3A_929 = arith.constant 1073741824 : i32
      %broadcast_in_dim3A_930 = vector.broadcast %jit3A_929 : i32 to vector<8x98xi32>
      %select_n3A_931 = arith.select %eq3A_928, %add3A_236, %broadcast_in_dim3A_930 : vector<8x98xi1>, vector<8x98xi32>
      %reduce_min3A_932 = vector.shape_cast %select_n3A_931 : vector<8x98xi32> to vector<1x8x98xi32>
      %reduce_min3A_933 = arith.constant dense<2147483647> : vector<1xi32>
      %reduce_min3A_934 = vector.multi_reduction <minsi>, %reduce_min3A_932, %reduce_min3A_933 [1, 2] : vector<1x8x98xi32> to vector<1xi32>
      %reduce_min3A_935 = vector.shape_cast %reduce_min3A_934 : vector<1xi32> to vector<1x1x1xi32>
      %reduce_min3A_936 = vector.extract %reduce_min3A_935[0, 0, 0] : i32 from vector<1x1x1xi32>
      %get3A_937 = arith.constant 0 : index
      %get3A_938 = arith.index_cast %reduce_min3A_936 : i32 to index
      %get3A_939 = arith.constant 0 : index
      %get3A_940 = vector.load %arg9[%get3A_937, %get3A_938, %get3A_939] : memref<1x784x128xf32, #tpu.memory_space<vmem>>, vector<1x1x128xf32>
      %get3A_941 = vector.shape_cast %get3A_940 : vector<1x1x128xf32> to vector<128xf32>
      %eq3A_942 = vector.broadcast %scan3A_657 : f32 to vector<128xf32>
      %eq3A_943 = arith.cmpf oeq, %get3A_941, %eq3A_942 : vector<128xf32>
      %jit3A_944 = arith.constant 1.000000e+00 : f32
      %jit3A_945 = arith.constant 0.000000e+00 : f32
      %broadcast_in_dim3A_946 = vector.broadcast %jit3A_944 : f32 to vector<128xf32>
      %broadcast_in_dim3A_947 = vector.broadcast %jit3A_945 : f32 to vector<128xf32>
      %select_n3A_948 = arith.select %eq3A_943, %broadcast_in_dim3A_946, %broadcast_in_dim3A_947 : vector<128xi1>, vector<128xf32>
      %reduce_sum3A_949 = vector.shape_cast %select_n3A_948 : vector<128xf32> to vector<1x128xf32>
      %reduce_sum3A_950 = arith.constant dense<0.000000e+00> : vector<1xf32>
      %reduce_sum3A_951 = vector.multi_reduction <add>, %reduce_sum3A_949, %reduce_sum3A_950 [1] : vector<1x128xf32> to vector<1xf32>
      %reduce_sum3A_952 = vector.shape_cast %reduce_sum3A_951 : vector<1xf32> to vector<1x1xf32>
      %reduce_sum3A_953 = vector.extract %reduce_sum3A_952[0, 0] : f32 from vector<1x1xf32>
      %lt3A_954 = vector.broadcast %scan3A_657 : f32 to vector<128xf32>
      %lt3A_955 = arith.cmpf olt, %get3A_941, %lt3A_954 : vector<128xf32>
      %jit3A_956 = arith.constant 0xFF800000 : f32
      %broadcast_in_dim3A_957 = vector.broadcast %jit3A_956 : f32 to vector<128xf32>
      %select_n3A_958 = arith.select %lt3A_955, %get3A_941, %broadcast_in_dim3A_957 : vector<128xi1>, vector<128xf32>
      %reduce_max3A_959 = vector.shape_cast %select_n3A_958 : vector<128xf32> to vector<1x128xf32>
      %reduce_max3A_960 = arith.constant dense<0xFF800000> : vector<1xf32>
      %reduce_max3A_961 = vector.multi_reduction <maximumf>, %reduce_max3A_959, %reduce_max3A_960 [1] : vector<1x128xf32> to vector<1xf32>
      %reduce_max3A_962 = vector.shape_cast %reduce_max3A_961 : vector<1xf32> to vector<1x1xf32>
      %reduce_max3A_963 = vector.extract %reduce_max3A_962[0, 0] : f32 from vector<1x1xf32>
      %eq3A_964 = vector.broadcast %reduce_min3A_936 : i32 to vector<8x98xi32>
      %eq3A_965 = arith.cmpi eq, %add3A_236, %eq3A_964 : vector<8x98xi32>
      %broadcast_in_dim3A_966 = vector.broadcast %reduce_max3A_963 : f32 to vector<8x98xf32>
      %select_n3A_967 = arith.select %eq3A_965, %broadcast_in_dim3A_966, %scan3A_665 : vector<8x98xi1>, vector<8x98xf32>
      %eq3A_968 = arith.constant 4 : i32
      %eq3A_969 = vector.broadcast %eq3A_968 : i32 to vector<8x128xi32>
      %eq3A_970 = arith.cmpi eq, %iota3A_0, %eq3A_969 : vector<8x128xi32>
      %eq3A_971 = vector.broadcast %scan3A_652 : i32 to vector<1x128xi32>
      %eq3A_972 = arith.cmpi eq, %iota3A, %eq3A_971 : vector<1x128xi32>
      %and3A_973 = vector.broadcast %eq3A_972 : vector<1x128xi1> to vector<8x128xi1>
      %and3A_974 = arith.andi %eq3A_970, %and3A_973 : vector<8x128xi1>
      %broadcast_in_dim3A_975 = vector.broadcast %scan3A_657 : f32 to vector<8x128xf32>
      %select_n3A_976 = arith.select %and3A_974, %broadcast_in_dim3A_975, %select_n3A_912 : vector<8x128xi1>, vector<8x128xf32>
      %eq3A_977 = arith.constant 4 : i32
      %eq3A_978 = vector.broadcast %eq3A_977 : i32 to vector<8x128xi32>
      %eq3A_979 = arith.cmpi eq, %iota3A_0, %eq3A_978 : vector<8x128xi32>
      %eq3A_980 = vector.broadcast %scan3A_652 : i32 to vector<1x128xi32>
      %eq3A_981 = arith.cmpi eq, %iota3A, %eq3A_980 : vector<1x128xi32>
      %and3A_982 = vector.broadcast %eq3A_981 : vector<1x128xi1> to vector<8x128xi1>
      %and3A_983 = arith.andi %eq3A_979, %and3A_982 : vector<8x128xi1>
      %broadcast_in_dim3A_984 = vector.broadcast %reduce_sum3A_953 : f32 to vector<8x128xf32>
      %select_n3A_985 = arith.select %and3A_983, %broadcast_in_dim3A_984, %select_n3A_921 : vector<8x128xi1>, vector<8x128xf32>
      %reduce_max3A_986 = vector.shape_cast %select_n3A_967 : vector<8x98xf32> to vector<1x8x98xf32>
      %reduce_max3A_987 = arith.constant dense<0xFF800000> : vector<1xf32>
      %reduce_max3A_988 = vector.multi_reduction <maximumf>, %reduce_max3A_986, %reduce_max3A_987 [1, 2] : vector<1x8x98xf32> to vector<1xf32>
      %reduce_max3A_989 = vector.shape_cast %reduce_max3A_988 : vector<1xf32> to vector<1x1x1xf32>
      %reduce_max3A_990 = vector.extract %reduce_max3A_989[0, 0, 0] : f32 from vector<1x1x1xf32>
      %eq3A_991 = vector.broadcast %scan3A_658 : f32 to vector<8x98xf32>
      %eq3A_992 = arith.cmpf oeq, %scan3A_666, %eq3A_991 : vector<8x98xf32>
      %jit3A_993 = arith.constant 1073741824 : i32
      %broadcast_in_dim3A_994 = vector.broadcast %jit3A_993 : i32 to vector<8x98xi32>
      %select_n3A_995 = arith.select %eq3A_992, %add3A_236, %broadcast_in_dim3A_994 : vector<8x98xi1>, vector<8x98xi32>
      %reduce_min3A_996 = vector.shape_cast %select_n3A_995 : vector<8x98xi32> to vector<1x8x98xi32>
      %reduce_min3A_997 = arith.constant dense<2147483647> : vector<1xi32>
      %reduce_min3A_998 = vector.multi_reduction <minsi>, %reduce_min3A_996, %reduce_min3A_997 [1, 2] : vector<1x8x98xi32> to vector<1xi32>
      %reduce_min3A_999 = vector.shape_cast %reduce_min3A_998 : vector<1xi32> to vector<1x1x1xi32>
      %reduce_min3A_1000 = vector.extract %reduce_min3A_999[0, 0, 0] : i32 from vector<1x1x1xi32>
      %get3A_1001 = arith.constant 0 : index
      %get3A_1002 = arith.index_cast %reduce_min3A_1000 : i32 to index
      %get3A_1003 = arith.constant 0 : index
      %get3A_1004 = vector.load %arg10[%get3A_1001, %get3A_1002, %get3A_1003] : memref<1x784x128xf32, #tpu.memory_space<vmem>>, vector<1x1x128xf32>
      %get3A_1005 = vector.shape_cast %get3A_1004 : vector<1x1x128xf32> to vector<128xf32>
      %eq3A_1006 = vector.broadcast %scan3A_658 : f32 to vector<128xf32>
      %eq3A_1007 = arith.cmpf oeq, %get3A_1005, %eq3A_1006 : vector<128xf32>
      %jit3A_1008 = arith.constant 1.000000e+00 : f32
      %jit3A_1009 = arith.constant 0.000000e+00 : f32
      %broadcast_in_dim3A_1010 = vector.broadcast %jit3A_1008 : f32 to vector<128xf32>
      %broadcast_in_dim3A_1011 = vector.broadcast %jit3A_1009 : f32 to vector<128xf32>
      %select_n3A_1012 = arith.select %eq3A_1007, %broadcast_in_dim3A_1010, %broadcast_in_dim3A_1011 : vector<128xi1>, vector<128xf32>
      %reduce_sum3A_1013 = vector.shape_cast %select_n3A_1012 : vector<128xf32> to vector<1x128xf32>
      %reduce_sum3A_1014 = arith.constant dense<0.000000e+00> : vector<1xf32>
      %reduce_sum3A_1015 = vector.multi_reduction <add>, %reduce_sum3A_1013, %reduce_sum3A_1014 [1] : vector<1x128xf32> to vector<1xf32>
      %reduce_sum3A_1016 = vector.shape_cast %reduce_sum3A_1015 : vector<1xf32> to vector<1x1xf32>
      %reduce_sum3A_1017 = vector.extract %reduce_sum3A_1016[0, 0] : f32 from vector<1x1xf32>
      %lt3A_1018 = vector.broadcast %scan3A_658 : f32 to vector<128xf32>
      %lt3A_1019 = arith.cmpf olt, %get3A_1005, %lt3A_1018 : vector<128xf32>
      %jit3A_1020 = arith.constant 0xFF800000 : f32
      %broadcast_in_dim3A_1021 = vector.broadcast %jit3A_1020 : f32 to vector<128xf32>
      %select_n3A_1022 = arith.select %lt3A_1019, %get3A_1005, %broadcast_in_dim3A_1021 : vector<128xi1>, vector<128xf32>
      %reduce_max3A_1023 = vector.shape_cast %select_n3A_1022 : vector<128xf32> to vector<1x128xf32>
      %reduce_max3A_1024 = arith.constant dense<0xFF800000> : vector<1xf32>
      %reduce_max3A_1025 = vector.multi_reduction <maximumf>, %reduce_max3A_1023, %reduce_max3A_1024 [1] : vector<1x128xf32> to vector<1xf32>
      %reduce_max3A_1026 = vector.shape_cast %reduce_max3A_1025 : vector<1xf32> to vector<1x1xf32>
      %reduce_max3A_1027 = vector.extract %reduce_max3A_1026[0, 0] : f32 from vector<1x1xf32>
      %eq3A_1028 = vector.broadcast %reduce_min3A_1000 : i32 to vector<8x98xi32>
      %eq3A_1029 = arith.cmpi eq, %add3A_236, %eq3A_1028 : vector<8x98xi32>
      %broadcast_in_dim3A_1030 = vector.broadcast %reduce_max3A_1027 : f32 to vector<8x98xf32>
      %select_n3A_1031 = arith.select %eq3A_1029, %broadcast_in_dim3A_1030, %scan3A_666 : vector<8x98xi1>, vector<8x98xf32>
      %eq3A_1032 = arith.constant 5 : i32
      %eq3A_1033 = vector.broadcast %eq3A_1032 : i32 to vector<8x128xi32>
      %eq3A_1034 = arith.cmpi eq, %iota3A_0, %eq3A_1033 : vector<8x128xi32>
      %eq3A_1035 = vector.broadcast %scan3A_652 : i32 to vector<1x128xi32>
      %eq3A_1036 = arith.cmpi eq, %iota3A, %eq3A_1035 : vector<1x128xi32>
      %and3A_1037 = vector.broadcast %eq3A_1036 : vector<1x128xi1> to vector<8x128xi1>
      %and3A_1038 = arith.andi %eq3A_1034, %and3A_1037 : vector<8x128xi1>
      %broadcast_in_dim3A_1039 = vector.broadcast %scan3A_658 : f32 to vector<8x128xf32>
      %select_n3A_1040 = arith.select %and3A_1038, %broadcast_in_dim3A_1039, %select_n3A_976 : vector<8x128xi1>, vector<8x128xf32>
      %eq3A_1041 = arith.constant 5 : i32
      %eq3A_1042 = vector.broadcast %eq3A_1041 : i32 to vector<8x128xi32>
      %eq3A_1043 = arith.cmpi eq, %iota3A_0, %eq3A_1042 : vector<8x128xi32>
      %eq3A_1044 = vector.broadcast %scan3A_652 : i32 to vector<1x128xi32>
      %eq3A_1045 = arith.cmpi eq, %iota3A, %eq3A_1044 : vector<1x128xi32>
      %and3A_1046 = vector.broadcast %eq3A_1045 : vector<1x128xi1> to vector<8x128xi1>
      %and3A_1047 = arith.andi %eq3A_1043, %and3A_1046 : vector<8x128xi1>
      %broadcast_in_dim3A_1048 = vector.broadcast %reduce_sum3A_1017 : f32 to vector<8x128xf32>
      %select_n3A_1049 = arith.select %and3A_1047, %broadcast_in_dim3A_1048, %select_n3A_985 : vector<8x128xi1>, vector<8x128xf32>
      %reduce_max3A_1050 = vector.shape_cast %select_n3A_1031 : vector<8x98xf32> to vector<1x8x98xf32>
      %reduce_max3A_1051 = arith.constant dense<0xFF800000> : vector<1xf32>
      %reduce_max3A_1052 = vector.multi_reduction <maximumf>, %reduce_max3A_1050, %reduce_max3A_1051 [1, 2] : vector<1x8x98xf32> to vector<1xf32>
      %reduce_max3A_1053 = vector.shape_cast %reduce_max3A_1052 : vector<1xf32> to vector<1x1x1xf32>
      %reduce_max3A_1054 = vector.extract %reduce_max3A_1053[0, 0, 0] : f32 from vector<1x1x1xf32>
      %eq3A_1055 = vector.broadcast %scan3A_659 : f32 to vector<8x98xf32>
      %eq3A_1056 = arith.cmpf oeq, %scan3A_667, %eq3A_1055 : vector<8x98xf32>
      %jit3A_1057 = arith.constant 1073741824 : i32
      %broadcast_in_dim3A_1058 = vector.broadcast %jit3A_1057 : i32 to vector<8x98xi32>
      %select_n3A_1059 = arith.select %eq3A_1056, %add3A_236, %broadcast_in_dim3A_1058 : vector<8x98xi1>, vector<8x98xi32>
      %reduce_min3A_1060 = vector.shape_cast %select_n3A_1059 : vector<8x98xi32> to vector<1x8x98xi32>
      %reduce_min3A_1061 = arith.constant dense<2147483647> : vector<1xi32>
      %reduce_min3A_1062 = vector.multi_reduction <minsi>, %reduce_min3A_1060, %reduce_min3A_1061 [1, 2] : vector<1x8x98xi32> to vector<1xi32>
      %reduce_min3A_1063 = vector.shape_cast %reduce_min3A_1062 : vector<1xi32> to vector<1x1x1xi32>
      %reduce_min3A_1064 = vector.extract %reduce_min3A_1063[0, 0, 0] : i32 from vector<1x1x1xi32>
      %get3A_1065 = arith.constant 0 : index
      %get3A_1066 = arith.index_cast %reduce_min3A_1064 : i32 to index
      %get3A_1067 = arith.constant 0 : index
      %get3A_1068 = vector.load %arg11[%get3A_1065, %get3A_1066, %get3A_1067] : memref<1x784x128xf32, #tpu.memory_space<vmem>>, vector<1x1x128xf32>
      %get3A_1069 = vector.shape_cast %get3A_1068 : vector<1x1x128xf32> to vector<128xf32>
      %eq3A_1070 = vector.broadcast %scan3A_659 : f32 to vector<128xf32>
      %eq3A_1071 = arith.cmpf oeq, %get3A_1069, %eq3A_1070 : vector<128xf32>
      %jit3A_1072 = arith.constant 1.000000e+00 : f32
      %jit3A_1073 = arith.constant 0.000000e+00 : f32
      %broadcast_in_dim3A_1074 = vector.broadcast %jit3A_1072 : f32 to vector<128xf32>
      %broadcast_in_dim3A_1075 = vector.broadcast %jit3A_1073 : f32 to vector<128xf32>
      %select_n3A_1076 = arith.select %eq3A_1071, %broadcast_in_dim3A_1074, %broadcast_in_dim3A_1075 : vector<128xi1>, vector<128xf32>
      %reduce_sum3A_1077 = vector.shape_cast %select_n3A_1076 : vector<128xf32> to vector<1x128xf32>
      %reduce_sum3A_1078 = arith.constant dense<0.000000e+00> : vector<1xf32>
      %reduce_sum3A_1079 = vector.multi_reduction <add>, %reduce_sum3A_1077, %reduce_sum3A_1078 [1] : vector<1x128xf32> to vector<1xf32>
      %reduce_sum3A_1080 = vector.shape_cast %reduce_sum3A_1079 : vector<1xf32> to vector<1x1xf32>
      %reduce_sum3A_1081 = vector.extract %reduce_sum3A_1080[0, 0] : f32 from vector<1x1xf32>
      %lt3A_1082 = vector.broadcast %scan3A_659 : f32 to vector<128xf32>
      %lt3A_1083 = arith.cmpf olt, %get3A_1069, %lt3A_1082 : vector<128xf32>
      %jit3A_1084 = arith.constant 0xFF800000 : f32
      %broadcast_in_dim3A_1085 = vector.broadcast %jit3A_1084 : f32 to vector<128xf32>
      %select_n3A_1086 = arith.select %lt3A_1083, %get3A_1069, %broadcast_in_dim3A_1085 : vector<128xi1>, vector<128xf32>
      %reduce_max3A_1087 = vector.shape_cast %select_n3A_1086 : vector<128xf32> to vector<1x128xf32>
      %reduce_max3A_1088 = arith.constant dense<0xFF800000> : vector<1xf32>
      %reduce_max3A_1089 = vector.multi_reduction <maximumf>, %reduce_max3A_1087, %reduce_max3A_1088 [1] : vector<1x128xf32> to vector<1xf32>
      %reduce_max3A_1090 = vector.shape_cast %reduce_max3A_1089 : vector<1xf32> to vector<1x1xf32>
      %reduce_max3A_1091 = vector.extract %reduce_max3A_1090[0, 0] : f32 from vector<1x1xf32>
      %eq3A_1092 = vector.broadcast %reduce_min3A_1064 : i32 to vector<8x98xi32>
      %eq3A_1093 = arith.cmpi eq, %add3A_236, %eq3A_1092 : vector<8x98xi32>
      %broadcast_in_dim3A_1094 = vector.broadcast %reduce_max3A_1091 : f32 to vector<8x98xf32>
      %select_n3A_1095 = arith.select %eq3A_1093, %broadcast_in_dim3A_1094, %scan3A_667 : vector<8x98xi1>, vector<8x98xf32>
      %eq3A_1096 = arith.constant 6 : i32
      %eq3A_1097 = vector.broadcast %eq3A_1096 : i32 to vector<8x128xi32>
      %eq3A_1098 = arith.cmpi eq, %iota3A_0, %eq3A_1097 : vector<8x128xi32>
      %eq3A_1099 = vector.broadcast %scan3A_652 : i32 to vector<1x128xi32>
      %eq3A_1100 = arith.cmpi eq, %iota3A, %eq3A_1099 : vector<1x128xi32>
      %and3A_1101 = vector.broadcast %eq3A_1100 : vector<1x128xi1> to vector<8x128xi1>
      %and3A_1102 = arith.andi %eq3A_1098, %and3A_1101 : vector<8x128xi1>
      %broadcast_in_dim3A_1103 = vector.broadcast %scan3A_659 : f32 to vector<8x128xf32>
      %select_n3A_1104 = arith.select %and3A_1102, %broadcast_in_dim3A_1103, %select_n3A_1040 : vector<8x128xi1>, vector<8x128xf32>
      %eq3A_1105 = arith.constant 6 : i32
      %eq3A_1106 = vector.broadcast %eq3A_1105 : i32 to vector<8x128xi32>
      %eq3A_1107 = arith.cmpi eq, %iota3A_0, %eq3A_1106 : vector<8x128xi32>
      %eq3A_1108 = vector.broadcast %scan3A_652 : i32 to vector<1x128xi32>
      %eq3A_1109 = arith.cmpi eq, %iota3A, %eq3A_1108 : vector<1x128xi32>
      %and3A_1110 = vector.broadcast %eq3A_1109 : vector<1x128xi1> to vector<8x128xi1>
      %and3A_1111 = arith.andi %eq3A_1107, %and3A_1110 : vector<8x128xi1>
      %broadcast_in_dim3A_1112 = vector.broadcast %reduce_sum3A_1081 : f32 to vector<8x128xf32>
      %select_n3A_1113 = arith.select %and3A_1111, %broadcast_in_dim3A_1112, %select_n3A_1049 : vector<8x128xi1>, vector<8x128xf32>
      %reduce_max3A_1114 = vector.shape_cast %select_n3A_1095 : vector<8x98xf32> to vector<1x8x98xf32>
      %reduce_max3A_1115 = arith.constant dense<0xFF800000> : vector<1xf32>
      %reduce_max3A_1116 = vector.multi_reduction <maximumf>, %reduce_max3A_1114, %reduce_max3A_1115 [1, 2] : vector<1x8x98xf32> to vector<1xf32>
      %reduce_max3A_1117 = vector.shape_cast %reduce_max3A_1116 : vector<1xf32> to vector<1x1x1xf32>
      %reduce_max3A_1118 = vector.extract %reduce_max3A_1117[0, 0, 0] : f32 from vector<1x1x1xf32>
      %eq3A_1119 = vector.broadcast %scan3A_660 : f32 to vector<8x98xf32>
      %eq3A_1120 = arith.cmpf oeq, %scan3A_668, %eq3A_1119 : vector<8x98xf32>
      %jit3A_1121 = arith.constant 1073741824 : i32
      %broadcast_in_dim3A_1122 = vector.broadcast %jit3A_1121 : i32 to vector<8x98xi32>
      %select_n3A_1123 = arith.select %eq3A_1120, %add3A_236, %broadcast_in_dim3A_1122 : vector<8x98xi1>, vector<8x98xi32>
      %reduce_min3A_1124 = vector.shape_cast %select_n3A_1123 : vector<8x98xi32> to vector<1x8x98xi32>
      %reduce_min3A_1125 = arith.constant dense<2147483647> : vector<1xi32>
      %reduce_min3A_1126 = vector.multi_reduction <minsi>, %reduce_min3A_1124, %reduce_min3A_1125 [1, 2] : vector<1x8x98xi32> to vector<1xi32>
      %reduce_min3A_1127 = vector.shape_cast %reduce_min3A_1126 : vector<1xi32> to vector<1x1x1xi32>
      %reduce_min3A_1128 = vector.extract %reduce_min3A_1127[0, 0, 0] : i32 from vector<1x1x1xi32>
      %get3A_1129 = arith.constant 0 : index
      %get3A_1130 = arith.index_cast %reduce_min3A_1128 : i32 to index
      %get3A_1131 = arith.constant 0 : index
      %get3A_1132 = vector.load %arg12[%get3A_1129, %get3A_1130, %get3A_1131] : memref<1x784x128xf32, #tpu.memory_space<vmem>>, vector<1x1x128xf32>
      %get3A_1133 = vector.shape_cast %get3A_1132 : vector<1x1x128xf32> to vector<128xf32>
      %eq3A_1134 = vector.broadcast %scan3A_660 : f32 to vector<128xf32>
      %eq3A_1135 = arith.cmpf oeq, %get3A_1133, %eq3A_1134 : vector<128xf32>
      %jit3A_1136 = arith.constant 1.000000e+00 : f32
      %jit3A_1137 = arith.constant 0.000000e+00 : f32
      %broadcast_in_dim3A_1138 = vector.broadcast %jit3A_1136 : f32 to vector<128xf32>
      %broadcast_in_dim3A_1139 = vector.broadcast %jit3A_1137 : f32 to vector<128xf32>
      %select_n3A_1140 = arith.select %eq3A_1135, %broadcast_in_dim3A_1138, %broadcast_in_dim3A_1139 : vector<128xi1>, vector<128xf32>
      %reduce_sum3A_1141 = vector.shape_cast %select_n3A_1140 : vector<128xf32> to vector<1x128xf32>
      %reduce_sum3A_1142 = arith.constant dense<0.000000e+00> : vector<1xf32>
      %reduce_sum3A_1143 = vector.multi_reduction <add>, %reduce_sum3A_1141, %reduce_sum3A_1142 [1] : vector<1x128xf32> to vector<1xf32>
      %reduce_sum3A_1144 = vector.shape_cast %reduce_sum3A_1143 : vector<1xf32> to vector<1x1xf32>
      %reduce_sum3A_1145 = vector.extract %reduce_sum3A_1144[0, 0] : f32 from vector<1x1xf32>
      %lt3A_1146 = vector.broadcast %scan3A_660 : f32 to vector<128xf32>
      %lt3A_1147 = arith.cmpf olt, %get3A_1133, %lt3A_1146 : vector<128xf32>
      %jit3A_1148 = arith.constant 0xFF800000 : f32
      %broadcast_in_dim3A_1149 = vector.broadcast %jit3A_1148 : f32 to vector<128xf32>
      %select_n3A_1150 = arith.select %lt3A_1147, %get3A_1133, %broadcast_in_dim3A_1149 : vector<128xi1>, vector<128xf32>
      %reduce_max3A_1151 = vector.shape_cast %select_n3A_1150 : vector<128xf32> to vector<1x128xf32>
      %reduce_max3A_1152 = arith.constant dense<0xFF800000> : vector<1xf32>
      %reduce_max3A_1153 = vector.multi_reduction <maximumf>, %reduce_max3A_1151, %reduce_max3A_1152 [1] : vector<1x128xf32> to vector<1xf32>
      %reduce_max3A_1154 = vector.shape_cast %reduce_max3A_1153 : vector<1xf32> to vector<1x1xf32>
      %reduce_max3A_1155 = vector.extract %reduce_max3A_1154[0, 0] : f32 from vector<1x1xf32>
      %eq3A_1156 = vector.broadcast %reduce_min3A_1128 : i32 to vector<8x98xi32>
      %eq3A_1157 = arith.cmpi eq, %add3A_236, %eq3A_1156 : vector<8x98xi32>
      %broadcast_in_dim3A_1158 = vector.broadcast %reduce_max3A_1155 : f32 to vector<8x98xf32>
      %select_n3A_1159 = arith.select %eq3A_1157, %broadcast_in_dim3A_1158, %scan3A_668 : vector<8x98xi1>, vector<8x98xf32>
      %eq3A_1160 = arith.constant 7 : i32
      %eq3A_1161 = vector.broadcast %eq3A_1160 : i32 to vector<8x128xi32>
      %eq3A_1162 = arith.cmpi eq, %iota3A_0, %eq3A_1161 : vector<8x128xi32>
      %eq3A_1163 = vector.broadcast %scan3A_652 : i32 to vector<1x128xi32>
      %eq3A_1164 = arith.cmpi eq, %iota3A, %eq3A_1163 : vector<1x128xi32>
      %and3A_1165 = vector.broadcast %eq3A_1164 : vector<1x128xi1> to vector<8x128xi1>
      %and3A_1166 = arith.andi %eq3A_1162, %and3A_1165 : vector<8x128xi1>
      %broadcast_in_dim3A_1167 = vector.broadcast %scan3A_660 : f32 to vector<8x128xf32>
      %select_n3A_1168 = arith.select %and3A_1166, %broadcast_in_dim3A_1167, %select_n3A_1104 : vector<8x128xi1>, vector<8x128xf32>
      %eq3A_1169 = arith.constant 7 : i32
      %eq3A_1170 = vector.broadcast %eq3A_1169 : i32 to vector<8x128xi32>
      %eq3A_1171 = arith.cmpi eq, %iota3A_0, %eq3A_1170 : vector<8x128xi32>
      %eq3A_1172 = vector.broadcast %scan3A_652 : i32 to vector<1x128xi32>
      %eq3A_1173 = arith.cmpi eq, %iota3A, %eq3A_1172 : vector<1x128xi32>
      %and3A_1174 = vector.broadcast %eq3A_1173 : vector<1x128xi1> to vector<8x128xi1>
      %and3A_1175 = arith.andi %eq3A_1171, %and3A_1174 : vector<8x128xi1>
      %broadcast_in_dim3A_1176 = vector.broadcast %reduce_sum3A_1145 : f32 to vector<8x128xf32>
      %select_n3A_1177 = arith.select %and3A_1175, %broadcast_in_dim3A_1176, %select_n3A_1113 : vector<8x128xi1>, vector<8x128xf32>
      %reduce_max3A_1178 = vector.shape_cast %select_n3A_1159 : vector<8x98xf32> to vector<1x8x98xf32>
      %reduce_max3A_1179 = arith.constant dense<0xFF800000> : vector<1xf32>
      %reduce_max3A_1180 = vector.multi_reduction <maximumf>, %reduce_max3A_1178, %reduce_max3A_1179 [1, 2] : vector<1x8x98xf32> to vector<1xf32>
      %reduce_max3A_1181 = vector.shape_cast %reduce_max3A_1180 : vector<1xf32> to vector<1x1x1xf32>
      %reduce_max3A_1182 = vector.extract %reduce_max3A_1181[0, 0, 0] : f32 from vector<1x1x1xf32>
      scf.yield %reduce_max3A_734, %reduce_max3A_798, %reduce_max3A_862, %reduce_max3A_926, %reduce_max3A_990, %reduce_max3A_1054, %reduce_max3A_1118, %reduce_max3A_1182, %select_n3A_711, %select_n3A_775, %select_n3A_839, %select_n3A_903, %select_n3A_967, %select_n3A_1031, %select_n3A_1095, %select_n3A_1159, %select_n3A_1168, %select_n3A_1177 : f32, f32, f32, f32, f32, f32, f32, f32, vector<8x98xf32>, vector<8x98xf32>, vector<8x98xf32>, vector<8x98xf32>, vector<8x98xf32>, vector<8x98xf32>, vector<8x98xf32>, vector<8x98xf32>, vector<8x128xf32>, vector<8x128xf32>
    }
    %scan3A_245 = arith.constant 63 : i32
    %broadcast_in_dim3A_246 = arith.constant 0.000000e+00 : f32
    %broadcast_in_dim3A_247 = vector.broadcast %broadcast_in_dim3A_246 : f32 to vector<8x1xf32>
    %broadcast_in_dim3A_248 = arith.constant 0.000000e+00 : f32
    %broadcast_in_dim3A_249 = vector.broadcast %broadcast_in_dim3A_248 : f32 to vector<8x1xf32>
    %broadcast_in_dim3A_250 = arith.constant 0.000000e+00 : f32
    %broadcast_in_dim3A_251 = vector.broadcast %broadcast_in_dim3A_250 : f32 to vector<8x1xf32>
    %broadcast_in_dim3A_252 = arith.constant 0.000000e+00 : f32
    %broadcast_in_dim3A_253 = vector.broadcast %broadcast_in_dim3A_252 : f32 to vector<8x1xf32>
    %iota3A_254 = tpu.iota {dimensions = array<i32: 0>} : vector<8x1xi32>
    %mul3A_255 = arith.constant 8 : i32
    %mul3A_256 = arith.muli %arg0, %mul3A_255 : i32
    %add3A_257 = arith.constant 0 : i32
    %add3A_258 = arith.addi %mul3A_256, %add3A_257 : i32
    %eq3A_259 = arith.constant 0 : i32
    %eq3A_260 = vector.broadcast %eq3A_259 : i32 to vector<8x1xi32>
    %eq3A_261 = arith.cmpi eq, %iota3A_254, %eq3A_260 : vector<8x1xi32>
    %get3A_262 = arith.index_cast %add3A_258 : i32 to index
    %get3A_263 = memref.load %arg2[%get3A_262] : memref<128xf32, #tpu.memory_space<smem>>
    %broadcast_in_dim3A_264 = vector.broadcast %get3A_263 : f32 to vector<8x1xf32>
    %select_n3A_265 = arith.select %eq3A_261, %broadcast_in_dim3A_264, %broadcast_in_dim3A_247 : vector<8x1xi1>, vector<8x1xf32>
    %get3A_266 = arith.index_cast %add3A_258 : i32 to index
    %get3A_267 = memref.load %arg3[%get3A_266] : memref<128xi32, #tpu.memory_space<smem>>
    %jit3A_268 = arith.constant 1 : i32
    %jit3A_269 = arith.constant 63 : i32
    %max3A = arith.maxsi %jit3A_268, %get3A_267 : i32
    %min3A = arith.minsi %jit3A_269, %max3A : i32
    %convert_element_type3A = arith.sitofp %min3A : i32 to f32
    %eq3A_270 = arith.constant 0 : i32
    %eq3A_271 = vector.broadcast %eq3A_270 : i32 to vector<8x1xi32>
    %eq3A_272 = arith.cmpi eq, %iota3A_254, %eq3A_271 : vector<8x1xi32>
    %broadcast_in_dim3A_273 = vector.broadcast %convert_element_type3A : f32 to vector<8x1xf32>
    %select_n3A_274 = arith.select %eq3A_272, %broadcast_in_dim3A_273, %broadcast_in_dim3A_249 : vector<8x1xi1>, vector<8x1xf32>
    %eq3A_275 = arith.constant 0 : i32
    %eq3A_276 = vector.broadcast %eq3A_275 : i32 to vector<8x1xi32>
    %eq3A_277 = arith.cmpi eq, %iota3A_254, %eq3A_276 : vector<8x1xi32>
    %get3A_278 = arith.index_cast %add3A_258 : i32 to index
    %get3A_279 = memref.load %arg4[%get3A_278] : memref<128xf32, #tpu.memory_space<smem>>
    %broadcast_in_dim3A_280 = vector.broadcast %get3A_279 : f32 to vector<8x1xf32>
    %select_n3A_281 = arith.select %eq3A_277, %broadcast_in_dim3A_280, %broadcast_in_dim3A_251 : vector<8x1xi1>, vector<8x1xf32>
    %eq3A_282 = arith.constant 0 : i32
    %eq3A_283 = vector.broadcast %eq3A_282 : i32 to vector<8x1xi32>
    %eq3A_284 = arith.cmpi eq, %iota3A_254, %eq3A_283 : vector<8x1xi32>
    %broadcast_in_dim3A_285 = vector.broadcast %reduce_max3A_94 : f32 to vector<8x1xf32>
    %select_n3A_286 = arith.select %eq3A_284, %broadcast_in_dim3A_285, %broadcast_in_dim3A_253 : vector<8x1xi1>, vector<8x1xf32>
    %mul3A_287 = arith.constant 8 : i32
    %mul3A_288 = arith.muli %arg0, %mul3A_287 : i32
    %add3A_289 = arith.constant 1 : i32
    %add3A_290 = arith.addi %mul3A_288, %add3A_289 : i32
    %eq3A_291 = arith.constant 1 : i32
    %eq3A_292 = vector.broadcast %eq3A_291 : i32 to vector<8x1xi32>
    %eq3A_293 = arith.cmpi eq, %iota3A_254, %eq3A_292 : vector<8x1xi32>
    %get3A_294 = arith.index_cast %add3A_290 : i32 to index
    %get3A_295 = memref.load %arg2[%get3A_294] : memref<128xf32, #tpu.memory_space<smem>>
    %broadcast_in_dim3A_296 = vector.broadcast %get3A_295 : f32 to vector<8x1xf32>
    %select_n3A_297 = arith.select %eq3A_293, %broadcast_in_dim3A_296, %select_n3A_265 : vector<8x1xi1>, vector<8x1xf32>
    %get3A_298 = arith.index_cast %add3A_290 : i32 to index
    %get3A_299 = memref.load %arg3[%get3A_298] : memref<128xi32, #tpu.memory_space<smem>>
    %jit3A_300 = arith.constant 1 : i32
    %jit3A_301 = arith.constant 63 : i32
    %max3A_302 = arith.maxsi %jit3A_300, %get3A_299 : i32
    %min3A_303 = arith.minsi %jit3A_301, %max3A_302 : i32
    %convert_element_type3A_304 = arith.sitofp %min3A_303 : i32 to f32
    %eq3A_305 = arith.constant 1 : i32
    %eq3A_306 = vector.broadcast %eq3A_305 : i32 to vector<8x1xi32>
    %eq3A_307 = arith.cmpi eq, %iota3A_254, %eq3A_306 : vector<8x1xi32>
    %broadcast_in_dim3A_308 = vector.broadcast %convert_element_type3A_304 : f32 to vector<8x1xf32>
    %select_n3A_309 = arith.select %eq3A_307, %broadcast_in_dim3A_308, %select_n3A_274 : vector<8x1xi1>, vector<8x1xf32>
    %eq3A_310 = arith.constant 1 : i32
    %eq3A_311 = vector.broadcast %eq3A_310 : i32 to vector<8x1xi32>
    %eq3A_312 = arith.cmpi eq, %iota3A_254, %eq3A_311 : vector<8x1xi32>
    %get3A_313 = arith.index_cast %add3A_290 : i32 to index
    %get3A_314 = memref.load %arg4[%get3A_313] : memref<128xf32, #tpu.memory_space<smem>>
    %broadcast_in_dim3A_315 = vector.broadcast %get3A_314 : f32 to vector<8x1xf32>
    %select_n3A_316 = arith.select %eq3A_312, %broadcast_in_dim3A_315, %select_n3A_281 : vector<8x1xi1>, vector<8x1xf32>
    %eq3A_317 = arith.constant 1 : i32
    %eq3A_318 = vector.broadcast %eq3A_317 : i32 to vector<8x1xi32>
    %eq3A_319 = arith.cmpi eq, %iota3A_254, %eq3A_318 : vector<8x1xi32>
    %broadcast_in_dim3A_320 = vector.broadcast %reduce_max3A_99 : f32 to vector<8x1xf32>
    %select_n3A_321 = arith.select %eq3A_319, %broadcast_in_dim3A_320, %select_n3A_286 : vector<8x1xi1>, vector<8x1xf32>
    %mul3A_322 = arith.constant 8 : i32
    %mul3A_323 = arith.muli %arg0, %mul3A_322 : i32
    %add3A_324 = arith.constant 2 : i32
    %add3A_325 = arith.addi %mul3A_323, %add3A_324 : i32
    %eq3A_326 = arith.constant 2 : i32
    %eq3A_327 = vector.broadcast %eq3A_326 : i32 to vector<8x1xi32>
    %eq3A_328 = arith.cmpi eq, %iota3A_254, %eq3A_327 : vector<8x1xi32>
    %get3A_329 = arith.index_cast %add3A_325 : i32 to index
    %get3A_330 = memref.load %arg2[%get3A_329] : memref<128xf32, #tpu.memory_space<smem>>
    %broadcast_in_dim3A_331 = vector.broadcast %get3A_330 : f32 to vector<8x1xf32>
    %select_n3A_332 = arith.select %eq3A_328, %broadcast_in_dim3A_331, %select_n3A_297 : vector<8x1xi1>, vector<8x1xf32>
    %get3A_333 = arith.index_cast %add3A_325 : i32 to index
    %get3A_334 = memref.load %arg3[%get3A_333] : memref<128xi32, #tpu.memory_space<smem>>
    %jit3A_335 = arith.constant 1 : i32
    %jit3A_336 = arith.constant 63 : i32
    %max3A_337 = arith.maxsi %jit3A_335, %get3A_334 : i32
    %min3A_338 = arith.minsi %jit3A_336, %max3A_337 : i32
    %convert_element_type3A_339 = arith.sitofp %min3A_338 : i32 to f32
    %eq3A_340 = arith.constant 2 : i32
    %eq3A_341 = vector.broadcast %eq3A_340 : i32 to vector<8x1xi32>
    %eq3A_342 = arith.cmpi eq, %iota3A_254, %eq3A_341 : vector<8x1xi32>
    %broadcast_in_dim3A_343 = vector.broadcast %convert_element_type3A_339 : f32 to vector<8x1xf32>
    %select_n3A_344 = arith.select %eq3A_342, %broadcast_in_dim3A_343, %select_n3A_309 : vector<8x1xi1>, vector<8x1xf32>
    %eq3A_345 = arith.constant 2 : i32
    %eq3A_346 = vector.broadcast %eq3A_345 : i32 to vector<8x1xi32>
    %eq3A_347 = arith.cmpi eq, %iota3A_254, %eq3A_346 : vector<8x1xi32>
    %get3A_348 = arith.index_cast %add3A_325 : i32 to index
    %get3A_349 = memref.load %arg4[%get3A_348] : memref<128xf32, #tpu.memory_space<smem>>
    %broadcast_in_dim3A_350 = vector.broadcast %get3A_349 : f32 to vector<8x1xf32>
    %select_n3A_351 = arith.select %eq3A_347, %broadcast_in_dim3A_350, %select_n3A_316 : vector<8x1xi1>, vector<8x1xf32>
    %eq3A_352 = arith.constant 2 : i32
    %eq3A_353 = vector.broadcast %eq3A_352 : i32 to vector<8x1xi32>
    %eq3A_354 = arith.cmpi eq, %iota3A_254, %eq3A_353 : vector<8x1xi32>
    %broadcast_in_dim3A_355 = vector.broadcast %reduce_max3A_104 : f32 to vector<8x1xf32>
    %select_n3A_356 = arith.select %eq3A_354, %broadcast_in_dim3A_355, %select_n3A_321 : vector<8x1xi1>, vector<8x1xf32>
    %mul3A_357 = arith.constant 8 : i32
    %mul3A_358 = arith.muli %arg0, %mul3A_357 : i32
    %add3A_359 = arith.constant 3 : i32
    %add3A_360 = arith.addi %mul3A_358, %add3A_359 : i32
    %eq3A_361 = arith.constant 3 : i32
    %eq3A_362 = vector.broadcast %eq3A_361 : i32 to vector<8x1xi32>
    %eq3A_363 = arith.cmpi eq, %iota3A_254, %eq3A_362 : vector<8x1xi32>
    %get3A_364 = arith.index_cast %add3A_360 : i32 to index
    %get3A_365 = memref.load %arg2[%get3A_364] : memref<128xf32, #tpu.memory_space<smem>>
    %broadcast_in_dim3A_366 = vector.broadcast %get3A_365 : f32 to vector<8x1xf32>
    %select_n3A_367 = arith.select %eq3A_363, %broadcast_in_dim3A_366, %select_n3A_332 : vector<8x1xi1>, vector<8x1xf32>
    %get3A_368 = arith.index_cast %add3A_360 : i32 to index
    %get3A_369 = memref.load %arg3[%get3A_368] : memref<128xi32, #tpu.memory_space<smem>>
    %jit3A_370 = arith.constant 1 : i32
    %jit3A_371 = arith.constant 63 : i32
    %max3A_372 = arith.maxsi %jit3A_370, %get3A_369 : i32
    %min3A_373 = arith.minsi %jit3A_371, %max3A_372 : i32
    %convert_element_type3A_374 = arith.sitofp %min3A_373 : i32 to f32
    %eq3A_375 = arith.constant 3 : i32
    %eq3A_376 = vector.broadcast %eq3A_375 : i32 to vector<8x1xi32>
    %eq3A_377 = arith.cmpi eq, %iota3A_254, %eq3A_376 : vector<8x1xi32>
    %broadcast_in_dim3A_378 = vector.broadcast %convert_element_type3A_374 : f32 to vector<8x1xf32>
    %select_n3A_379 = arith.select %eq3A_377, %broadcast_in_dim3A_378, %select_n3A_344 : vector<8x1xi1>, vector<8x1xf32>
    %eq3A_380 = arith.constant 3 : i32
    %eq3A_381 = vector.broadcast %eq3A_380 : i32 to vector<8x1xi32>
    %eq3A_382 = arith.cmpi eq, %iota3A_254, %eq3A_381 : vector<8x1xi32>
    %get3A_383 = arith.index_cast %add3A_360 : i32 to index
    %get3A_384 = memref.load %arg4[%get3A_383] : memref<128xf32, #tpu.memory_space<smem>>
    %broadcast_in_dim3A_385 = vector.broadcast %get3A_384 : f32 to vector<8x1xf32>
    %select_n3A_386 = arith.select %eq3A_382, %broadcast_in_dim3A_385, %select_n3A_351 : vector<8x1xi1>, vector<8x1xf32>
    %eq3A_387 = arith.constant 3 : i32
    %eq3A_388 = vector.broadcast %eq3A_387 : i32 to vector<8x1xi32>
    %eq3A_389 = arith.cmpi eq, %iota3A_254, %eq3A_388 : vector<8x1xi32>
    %broadcast_in_dim3A_390 = vector.broadcast %reduce_max3A_109 : f32 to vector<8x1xf32>
    %select_n3A_391 = arith.select %eq3A_389, %broadcast_in_dim3A_390, %select_n3A_356 : vector<8x1xi1>, vector<8x1xf32>
    %mul3A_392 = arith.constant 8 : i32
    %mul3A_393 = arith.muli %arg0, %mul3A_392 : i32
    %add3A_394 = arith.constant 4 : i32
    %add3A_395 = arith.addi %mul3A_393, %add3A_394 : i32
    %eq3A_396 = arith.constant 4 : i32
    %eq3A_397 = vector.broadcast %eq3A_396 : i32 to vector<8x1xi32>
    %eq3A_398 = arith.cmpi eq, %iota3A_254, %eq3A_397 : vector<8x1xi32>
    %get3A_399 = arith.index_cast %add3A_395 : i32 to index
    %get3A_400 = memref.load %arg2[%get3A_399] : memref<128xf32, #tpu.memory_space<smem>>
    %broadcast_in_dim3A_401 = vector.broadcast %get3A_400 : f32 to vector<8x1xf32>
    %select_n3A_402 = arith.select %eq3A_398, %broadcast_in_dim3A_401, %select_n3A_367 : vector<8x1xi1>, vector<8x1xf32>
    %get3A_403 = arith.index_cast %add3A_395 : i32 to index
    %get3A_404 = memref.load %arg3[%get3A_403] : memref<128xi32, #tpu.memory_space<smem>>
    %jit3A_405 = arith.constant 1 : i32
    %jit3A_406 = arith.constant 63 : i32
    %max3A_407 = arith.maxsi %jit3A_405, %get3A_404 : i32
    %min3A_408 = arith.minsi %jit3A_406, %max3A_407 : i32
    %convert_element_type3A_409 = arith.sitofp %min3A_408 : i32 to f32
    %eq3A_410 = arith.constant 4 : i32
    %eq3A_411 = vector.broadcast %eq3A_410 : i32 to vector<8x1xi32>
    %eq3A_412 = arith.cmpi eq, %iota3A_254, %eq3A_411 : vector<8x1xi32>
    %broadcast_in_dim3A_413 = vector.broadcast %convert_element_type3A_409 : f32 to vector<8x1xf32>
    %select_n3A_414 = arith.select %eq3A_412, %broadcast_in_dim3A_413, %select_n3A_379 : vector<8x1xi1>, vector<8x1xf32>
    %eq3A_415 = arith.constant 4 : i32
    %eq3A_416 = vector.broadcast %eq3A_415 : i32 to vector<8x1xi32>
    %eq3A_417 = arith.cmpi eq, %iota3A_254, %eq3A_416 : vector<8x1xi32>
    %get3A_418 = arith.index_cast %add3A_395 : i32 to index
    %get3A_419 = memref.load %arg4[%get3A_418] : memref<128xf32, #tpu.memory_space<smem>>
    %broadcast_in_dim3A_420 = vector.broadcast %get3A_419 : f32 to vector<8x1xf32>
    %select_n3A_421 = arith.select %eq3A_417, %broadcast_in_dim3A_420, %select_n3A_386 : vector<8x1xi1>, vector<8x1xf32>
    %eq3A_422 = arith.constant 4 : i32
    %eq3A_423 = vector.broadcast %eq3A_422 : i32 to vector<8x1xi32>
    %eq3A_424 = arith.cmpi eq, %iota3A_254, %eq3A_423 : vector<8x1xi32>
    %broadcast_in_dim3A_425 = vector.broadcast %reduce_max3A_114 : f32 to vector<8x1xf32>
    %select_n3A_426 = arith.select %eq3A_424, %broadcast_in_dim3A_425, %select_n3A_391 : vector<8x1xi1>, vector<8x1xf32>
    %mul3A_427 = arith.constant 8 : i32
    %mul3A_428 = arith.muli %arg0, %mul3A_427 : i32
    %add3A_429 = arith.constant 5 : i32
    %add3A_430 = arith.addi %mul3A_428, %add3A_429 : i32
    %eq3A_431 = arith.constant 5 : i32
    %eq3A_432 = vector.broadcast %eq3A_431 : i32 to vector<8x1xi32>
    %eq3A_433 = arith.cmpi eq, %iota3A_254, %eq3A_432 : vector<8x1xi32>
    %get3A_434 = arith.index_cast %add3A_430 : i32 to index
    %get3A_435 = memref.load %arg2[%get3A_434] : memref<128xf32, #tpu.memory_space<smem>>
    %broadcast_in_dim3A_436 = vector.broadcast %get3A_435 : f32 to vector<8x1xf32>
    %select_n3A_437 = arith.select %eq3A_433, %broadcast_in_dim3A_436, %select_n3A_402 : vector<8x1xi1>, vector<8x1xf32>
    %get3A_438 = arith.index_cast %add3A_430 : i32 to index
    %get3A_439 = memref.load %arg3[%get3A_438] : memref<128xi32, #tpu.memory_space<smem>>
    %jit3A_440 = arith.constant 1 : i32
    %jit3A_441 = arith.constant 63 : i32
    %max3A_442 = arith.maxsi %jit3A_440, %get3A_439 : i32
    %min3A_443 = arith.minsi %jit3A_441, %max3A_442 : i32
    %convert_element_type3A_444 = arith.sitofp %min3A_443 : i32 to f32
    %eq3A_445 = arith.constant 5 : i32
    %eq3A_446 = vector.broadcast %eq3A_445 : i32 to vector<8x1xi32>
    %eq3A_447 = arith.cmpi eq, %iota3A_254, %eq3A_446 : vector<8x1xi32>
    %broadcast_in_dim3A_448 = vector.broadcast %convert_element_type3A_444 : f32 to vector<8x1xf32>
    %select_n3A_449 = arith.select %eq3A_447, %broadcast_in_dim3A_448, %select_n3A_414 : vector<8x1xi1>, vector<8x1xf32>
    %eq3A_450 = arith.constant 5 : i32
    %eq3A_451 = vector.broadcast %eq3A_450 : i32 to vector<8x1xi32>
    %eq3A_452 = arith.cmpi eq, %iota3A_254, %eq3A_451 : vector<8x1xi32>
    %get3A_453 = arith.index_cast %add3A_430 : i32 to index
    %get3A_454 = memref.load %arg4[%get3A_453] : memref<128xf32, #tpu.memory_space<smem>>
    %broadcast_in_dim3A_455 = vector.broadcast %get3A_454 : f32 to vector<8x1xf32>
    %select_n3A_456 = arith.select %eq3A_452, %broadcast_in_dim3A_455, %select_n3A_421 : vector<8x1xi1>, vector<8x1xf32>
    %eq3A_457 = arith.constant 5 : i32
    %eq3A_458 = vector.broadcast %eq3A_457 : i32 to vector<8x1xi32>
    %eq3A_459 = arith.cmpi eq, %iota3A_254, %eq3A_458 : vector<8x1xi32>
    %broadcast_in_dim3A_460 = vector.broadcast %reduce_max3A_119 : f32 to vector<8x1xf32>
    %select_n3A_461 = arith.select %eq3A_459, %broadcast_in_dim3A_460, %select_n3A_426 : vector<8x1xi1>, vector<8x1xf32>
    %mul3A_462 = arith.constant 8 : i32
    %mul3A_463 = arith.muli %arg0, %mul3A_462 : i32
    %add3A_464 = arith.constant 6 : i32
    %add3A_465 = arith.addi %mul3A_463, %add3A_464 : i32
    %eq3A_466 = arith.constant 6 : i32
    %eq3A_467 = vector.broadcast %eq3A_466 : i32 to vector<8x1xi32>
    %eq3A_468 = arith.cmpi eq, %iota3A_254, %eq3A_467 : vector<8x1xi32>
    %get3A_469 = arith.index_cast %add3A_465 : i32 to index
    %get3A_470 = memref.load %arg2[%get3A_469] : memref<128xf32, #tpu.memory_space<smem>>
    %broadcast_in_dim3A_471 = vector.broadcast %get3A_470 : f32 to vector<8x1xf32>
    %select_n3A_472 = arith.select %eq3A_468, %broadcast_in_dim3A_471, %select_n3A_437 : vector<8x1xi1>, vector<8x1xf32>
    %get3A_473 = arith.index_cast %add3A_465 : i32 to index
    %get3A_474 = memref.load %arg3[%get3A_473] : memref<128xi32, #tpu.memory_space<smem>>
    %jit3A_475 = arith.constant 1 : i32
    %jit3A_476 = arith.constant 63 : i32
    %max3A_477 = arith.maxsi %jit3A_475, %get3A_474 : i32
    %min3A_478 = arith.minsi %jit3A_476, %max3A_477 : i32
    %convert_element_type3A_479 = arith.sitofp %min3A_478 : i32 to f32
    %eq3A_480 = arith.constant 6 : i32
    %eq3A_481 = vector.broadcast %eq3A_480 : i32 to vector<8x1xi32>
    %eq3A_482 = arith.cmpi eq, %iota3A_254, %eq3A_481 : vector<8x1xi32>
    %broadcast_in_dim3A_483 = vector.broadcast %convert_element_type3A_479 : f32 to vector<8x1xf32>
    %select_n3A_484 = arith.select %eq3A_482, %broadcast_in_dim3A_483, %select_n3A_449 : vector<8x1xi1>, vector<8x1xf32>
    %eq3A_485 = arith.constant 6 : i32
    %eq3A_486 = vector.broadcast %eq3A_485 : i32 to vector<8x1xi32>
    %eq3A_487 = arith.cmpi eq, %iota3A_254, %eq3A_486 : vector<8x1xi32>
    %get3A_488 = arith.index_cast %add3A_465 : i32 to index
    %get3A_489 = memref.load %arg4[%get3A_488] : memref<128xf32, #tpu.memory_space<smem>>
    %broadcast_in_dim3A_490 = vector.broadcast %get3A_489 : f32 to vector<8x1xf32>
    %select_n3A_491 = arith.select %eq3A_487, %broadcast_in_dim3A_490, %select_n3A_456 : vector<8x1xi1>, vector<8x1xf32>
    %eq3A_492 = arith.constant 6 : i32
    %eq3A_493 = vector.broadcast %eq3A_492 : i32 to vector<8x1xi32>
    %eq3A_494 = arith.cmpi eq, %iota3A_254, %eq3A_493 : vector<8x1xi32>
    %broadcast_in_dim3A_495 = vector.broadcast %reduce_max3A_124 : f32 to vector<8x1xf32>
    %select_n3A_496 = arith.select %eq3A_494, %broadcast_in_dim3A_495, %select_n3A_461 : vector<8x1xi1>, vector<8x1xf32>
    %mul3A_497 = arith.constant 8 : i32
    %mul3A_498 = arith.muli %arg0, %mul3A_497 : i32
    %add3A_499 = arith.constant 7 : i32
    %add3A_500 = arith.addi %mul3A_498, %add3A_499 : i32
    %eq3A_501 = arith.constant 7 : i32
    %eq3A_502 = vector.broadcast %eq3A_501 : i32 to vector<8x1xi32>
    %eq3A_503 = arith.cmpi eq, %iota3A_254, %eq3A_502 : vector<8x1xi32>
    %get3A_504 = arith.index_cast %add3A_500 : i32 to index
    %get3A_505 = memref.load %arg2[%get3A_504] : memref<128xf32, #tpu.memory_space<smem>>
    %broadcast_in_dim3A_506 = vector.broadcast %get3A_505 : f32 to vector<8x1xf32>
    %select_n3A_507 = arith.select %eq3A_503, %broadcast_in_dim3A_506, %select_n3A_472 : vector<8x1xi1>, vector<8x1xf32>
    %get3A_508 = arith.index_cast %add3A_500 : i32 to index
    %get3A_509 = memref.load %arg3[%get3A_508] : memref<128xi32, #tpu.memory_space<smem>>
    %jit3A_510 = arith.constant 1 : i32
    %jit3A_511 = arith.constant 63 : i32
    %max3A_512 = arith.maxsi %jit3A_510, %get3A_509 : i32
    %min3A_513 = arith.minsi %jit3A_511, %max3A_512 : i32
    %convert_element_type3A_514 = arith.sitofp %min3A_513 : i32 to f32
    %eq3A_515 = arith.constant 7 : i32
    %eq3A_516 = vector.broadcast %eq3A_515 : i32 to vector<8x1xi32>
    %eq3A_517 = arith.cmpi eq, %iota3A_254, %eq3A_516 : vector<8x1xi32>
    %broadcast_in_dim3A_518 = vector.broadcast %convert_element_type3A_514 : f32 to vector<8x1xf32>
    %select_n3A_519 = arith.select %eq3A_517, %broadcast_in_dim3A_518, %select_n3A_484 : vector<8x1xi1>, vector<8x1xf32>
    %eq3A_520 = arith.constant 7 : i32
    %eq3A_521 = vector.broadcast %eq3A_520 : i32 to vector<8x1xi32>
    %eq3A_522 = arith.cmpi eq, %iota3A_254, %eq3A_521 : vector<8x1xi32>
    %get3A_523 = arith.index_cast %add3A_500 : i32 to index
    %get3A_524 = memref.load %arg4[%get3A_523] : memref<128xf32, #tpu.memory_space<smem>>
    %broadcast_in_dim3A_525 = vector.broadcast %get3A_524 : f32 to vector<8x1xf32>
    %select_n3A_526 = arith.select %eq3A_522, %broadcast_in_dim3A_525, %select_n3A_491 : vector<8x1xi1>, vector<8x1xf32>
    %eq3A_527 = arith.constant 7 : i32
    %eq3A_528 = vector.broadcast %eq3A_527 : i32 to vector<8x1xi32>
    %eq3A_529 = arith.cmpi eq, %iota3A_254, %eq3A_528 : vector<8x1xi32>
    %broadcast_in_dim3A_530 = vector.broadcast %reduce_max3A_129 : f32 to vector<8x1xf32>
    %select_n3A_531 = arith.select %eq3A_529, %broadcast_in_dim3A_530, %select_n3A_496 : vector<8x1xi1>, vector<8x1xf32>
    %sub3A_532 = vector.broadcast %select_n3A_531 : vector<8x1xf32> to vector<8x128xf32>
    %sub3A_533 = arith.subf %scan3A_244#16, %sub3A_532 : vector<8x128xf32>
    %div3A_534 = vector.broadcast %select_n3A_507 : vector<8x1xf32> to vector<8x128xf32>
    %div3A_535 = arith.divf %sub3A_533, %div3A_534 : vector<8x128xf32>
    %exp3A = math.exp %div3A_535 : vector<8x128xf32>
    %mul3A_536 = arith.mulf %scan3A_244#17, %exp3A : vector<8x128xf32>
    %iota3A_537 = tpu.iota {dimensions = array<i32: 0>} : vector<128x128xi32>
    %iota3A_538 = tpu.iota {dimensions = array<i32: 1>} : vector<128x128xi32>
    %le3A = arith.cmpi sle, %iota3A_537, %iota3A_538 : vector<128x128xi32>
    %convert_element_type3A_539 = arith.extui %le3A : vector<128x128xi1> to vector<128x128xi32>
    %convert_element_type3A_540 = arith.sitofp %convert_element_type3A_539 : vector<128x128xi32> to vector<128x128xf32>
    %dot_general3A = arith.constant dense<0.000000e+00> : vector<8x128xf32>
    %dot_general3A_541 = tpu.matmul %scan3A_244#17, %convert_element_type3A_540, %dot_general3A {dimension_numbers = #tpu.dot_dimension_numbers<[1], [0], [0], [1], [0, 0, 1, 1], [], []>, precision = #tpu.contract_precision<fp32>, transpose_lhs_hint = false} : vector<8x128xf32>, vector<128x128xf32>, vector<8x128xf32> -> vector<8x128xf32>
    %dot_general3A_542 = arith.constant dense<0.000000e+00> : vector<8x128xf32>
    %dot_general3A_543 = tpu.matmul %mul3A_536, %convert_element_type3A_540, %dot_general3A_542 {dimension_numbers = #tpu.dot_dimension_numbers<[1], [0], [0], [1], [0, 0, 1, 1], [], []>, precision = #tpu.contract_precision<fp32>, transpose_lhs_hint = false} : vector<8x128xf32>, vector<128x128xf32>, vector<8x128xf32> -> vector<8x128xf32>
    %ge3A = vector.broadcast %select_n3A_519 : vector<8x1xf32> to vector<8x128xf32>
    %ge3A_544 = arith.cmpf oge, %dot_general3A_541, %ge3A : vector<8x128xf32>
    %jit3A_545 = arith.constant 999 : i32
    %broadcast_in_dim3A_546 = vector.shape_cast %iota3A : vector<1x128xi32> to vector<1x128xi32>
    %broadcast_in_dim3A_547 = vector.broadcast %broadcast_in_dim3A_546 : vector<1x128xi32> to vector<8x128xi32>
    %broadcast_in_dim3A_548 = vector.broadcast %jit3A_545 : i32 to vector<8x128xi32>
    %select_n3A_549 = arith.select %ge3A_544, %broadcast_in_dim3A_547, %broadcast_in_dim3A_548 : vector<8x128xi1>, vector<8x128xi32>
    %reduce_min3A_550 = arith.constant dense<2147483647> : vector<8xi32>
    %reduce_min3A_551 = vector.multi_reduction <minsi>, %select_n3A_549, %reduce_min3A_550 [1] : vector<8x128xi32> to vector<8xi32>
    %broadcast_in_dim3A_552 = vector.shape_cast %reduce_min3A_551 : vector<8xi32> to vector<8x1xi32>
    %eq3A_553 = vector.broadcast %iota3A : vector<1x128xi32> to vector<8x128xi32>
    %eq3A_554 = vector.broadcast %broadcast_in_dim3A_552 : vector<8x1xi32> to vector<8x128xi32>
    %eq3A_555 = arith.cmpi eq, %eq3A_553, %eq3A_554 : vector<8x128xi32>
    %jit3A_556 = arith.constant 0xFF800000 : f32
    %broadcast_in_dim3A_557 = vector.broadcast %jit3A_556 : f32 to vector<8x128xf32>
    %select_n3A_558 = arith.select %eq3A_555, %scan3A_244#16, %broadcast_in_dim3A_557 : vector<8x128xi1>, vector<8x128xf32>
    %reduce_max3A_559 = arith.constant dense<0xFF800000> : vector<8xf32>
    %reduce_max3A_560 = vector.multi_reduction <maximumf>, %select_n3A_558, %reduce_max3A_559 [1] : vector<8x128xf32> to vector<8xf32>
    %broadcast_in_dim3A_561 = vector.shape_cast %reduce_max3A_560 : vector<8xf32> to vector<8x1xf32>
    %ge3A_562 = vector.broadcast %broadcast_in_dim3A_561 : vector<8x1xf32> to vector<8x128xf32>
    %ge3A_563 = arith.cmpf oge, %scan3A_244#16, %ge3A_562 : vector<8x128xf32>
    %jit3A_564 = arith.constant 0.000000e+00 : f32
    %broadcast_in_dim3A_565 = vector.broadcast %jit3A_564 : f32 to vector<8x128xf32>
    %select_n3A_566 = arith.select %ge3A_563, %mul3A_536, %broadcast_in_dim3A_565 : vector<8x128xi1>, vector<8x128xf32>
    %reduce_sum3A = arith.constant dense<0.000000e+00> : vector<8xf32>
    %reduce_sum3A_567 = vector.multi_reduction <add>, %select_n3A_566, %reduce_sum3A [1] : vector<8x128xf32> to vector<8xf32>
    %broadcast_in_dim3A_568 = vector.shape_cast %reduce_sum3A_567 : vector<8xf32> to vector<8x1xf32>
    %mul3A_569 = arith.mulf %select_n3A_526, %broadcast_in_dim3A_568 : vector<8x1xf32>
    %sub3A_570 = arith.subf %dot_general3A_543, %mul3A_536 : vector<8x128xf32>
    %gt3A = arith.constant 0.000000e+00 : f32
    %gt3A_571 = vector.broadcast %gt3A : f32 to vector<8x128xf32>
    %gt3A_572 = arith.cmpf ogt, %exp3A, %gt3A_571 : vector<8x128xf32>
    %sub3A_573 = vector.broadcast %mul3A_569 : vector<8x1xf32> to vector<8x128xf32>
    %sub3A_574 = arith.subf %sub3A_573, %sub3A_570 : vector<8x128xf32>
    %jit3A_575 = arith.constant 1.000000e+00 : f32
    %broadcast_in_dim3A_576 = vector.broadcast %jit3A_575 : f32 to vector<8x128xf32>
    %select_n3A_577 = arith.select %gt3A_572, %exp3A, %broadcast_in_dim3A_576 : vector<8x128xi1>, vector<8x128xf32>
    %div3A_578 = arith.divf %sub3A_574, %select_n3A_577 : vector<8x128xf32>
    %floor3A = math.floor %div3A_578 : vector<8x128xf32>
    %add3A_579 = arith.constant 1.000000e+00 : f32
    %add3A_580 = vector.broadcast %add3A_579 : f32 to vector<8x128xf32>
    %add3A_581 = arith.addf %floor3A, %add3A_580 : vector<8x128xf32>
    %jit3A_582 = arith.constant 0.000000e+00 : f32
    %max3A_583 = vector.broadcast %jit3A_582 : f32 to vector<8x128xf32>
    %max3A_584 = arith.maximumf %max3A_583, %add3A_581 : vector<8x128xf32>
    %min3A_585 = arith.minimumf %scan3A_244#17, %max3A_584 : vector<8x128xf32>
    %and3A_586 = arith.andi %ge3A_563, %gt3A_572 : vector<8x128xi1>
    %jit3A_587 = arith.constant 0.000000e+00 : f32
    %broadcast_in_dim3A_588 = vector.broadcast %jit3A_587 : f32 to vector<8x128xf32>
    %select_n3A_589 = arith.select %and3A_586, %min3A_585, %broadcast_in_dim3A_588 : vector<8x128xi1>, vector<8x128xf32>
    %mul3A_590 = arith.mulf %select_n3A_589, %exp3A : vector<8x128xf32>
    %reduce_sum3A_591 = arith.constant dense<0.000000e+00> : vector<8xf32>
    %reduce_sum3A_592 = vector.multi_reduction <add>, %mul3A_590, %reduce_sum3A_591 [1] : vector<8x128xf32> to vector<8xf32>
    %broadcast_in_dim3A_593 = vector.shape_cast %reduce_sum3A_592 : vector<8xf32> to vector<8x1xf32>
    %div3A_594 = arith.constant 1.000000e+00 : f32
    %div3A_595 = vector.broadcast %div3A_594 : f32 to vector<8x1xf32>
    %div3A_596 = arith.divf %div3A_595, %broadcast_in_dim3A_593 : vector<8x1xf32>
    %broadcast_in_dim3A_597 = vector.shape_cast %div3A_596 : vector<8x1xf32> to vector<8x1xf32>
    %broadcast_in_dim3A_598 = vector.broadcast %broadcast_in_dim3A_597 : vector<8x1xf32> to vector<8x128xf32>
    %swap3A = arith.constant 0 : index
    %swap3A_599 = arith.constant 0 : index
    %swap3A_600 = arith.constant 0 : index
    %swap3A_601 = vector.load %arg13[%swap3A, %swap3A_599, %swap3A_600] : memref<1x8x128xf32, #tpu.memory_space<vmem>>, vector<1x8x128xf32>
    %swap3A_602 = vector.shape_cast %swap3A_601 : vector<1x8x128xf32> to vector<8x128xf32>
    %swap3A_603 = vector.shape_cast %broadcast_in_dim3A_598 : vector<8x128xf32> to vector<1x8x128xf32>
    tpu.vector_store %arg13[%swap3A, %swap3A_599, %swap3A_600], %swap3A_603 {strides = array<i32>} : memref<1x8x128xf32, #tpu.memory_space<vmem>>, vector<1x8x128xf32>,
    %broadcast_in_dim3A_604 = arith.constant 0 : i32
    %broadcast_in_dim3A_605 = vector.broadcast %broadcast_in_dim3A_604 : i32 to vector<8x128xi32>
    %eq3A_606 = arith.constant 0 : i32
    %eq3A_607 = vector.broadcast %eq3A_606 : i32 to vector<8x128xi32>
    %eq3A_608 = arith.cmpi eq, %iota3A_0, %eq3A_607 : vector<8x128xi32>
    %broadcast_in_dim3A_609 = vector.broadcast %reduce_min3A_137 : i32 to vector<8x128xi32>
    %select_n3A_610 = arith.select %eq3A_608, %broadcast_in_dim3A_609, %broadcast_in_dim3A_605 : vector<8x128xi1>, vector<8x128xi32>
    %eq3A_611 = arith.constant 1 : i32
    %eq3A_612 = vector.broadcast %eq3A_611 : i32 to vector<8x128xi32>
    %eq3A_613 = arith.cmpi eq, %iota3A_0, %eq3A_612 : vector<8x128xi32>
    %broadcast_in_dim3A_614 = vector.broadcast %reduce_min3A_147 : i32 to vector<8x128xi32>
    %select_n3A_615 = arith.select %eq3A_613, %broadcast_in_dim3A_614, %select_n3A_610 : vector<8x128xi1>, vector<8x128xi32>
    %eq3A_616 = arith.constant 2 : i32
    %eq3A_617 = vector.broadcast %eq3A_616 : i32 to vector<8x128xi32>
    %eq3A_618 = arith.cmpi eq, %iota3A_0, %eq3A_617 : vector<8x128xi32>
    %broadcast_in_dim3A_619 = vector.broadcast %reduce_min3A_157 : i32 to vector<8x128xi32>
    %select_n3A_620 = arith.select %eq3A_618, %broadcast_in_dim3A_619, %select_n3A_615 : vector<8x128xi1>, vector<8x128xi32>
    %eq3A_621 = arith.constant 3 : i32
    %eq3A_622 = vector.broadcast %eq3A_621 : i32 to vector<8x128xi32>
    %eq3A_623 = arith.cmpi eq, %iota3A_0, %eq3A_622 : vector<8x128xi32>
    %broadcast_in_dim3A_624 = vector.broadcast %reduce_min3A_167 : i32 to vector<8x128xi32>
    %select_n3A_625 = arith.select %eq3A_623, %broadcast_in_dim3A_624, %select_n3A_620 : vector<8x128xi1>, vector<8x128xi32>
    %eq3A_626 = arith.constant 4 : i32
    %eq3A_627 = vector.broadcast %eq3A_626 : i32 to vector<8x128xi32>
    %eq3A_628 = arith.cmpi eq, %iota3A_0, %eq3A_627 : vector<8x128xi32>
    %broadcast_in_dim3A_629 = vector.broadcast %reduce_min3A_177 : i32 to vector<8x128xi32>
    %select_n3A_630 = arith.select %eq3A_628, %broadcast_in_dim3A_629, %select_n3A_625 : vector<8x128xi1>, vector<8x128xi32>
    %eq3A_631 = arith.constant 5 : i32
    %eq3A_632 = vector.broadcast %eq3A_631 : i32 to vector<8x128xi32>
    %eq3A_633 = arith.cmpi eq, %iota3A_0, %eq3A_632 : vector<8x128xi32>
    %broadcast_in_dim3A_634 = vector.broadcast %reduce_min3A_187 : i32 to vector<8x128xi32>
    %select_n3A_635 = arith.select %eq3A_633, %broadcast_in_dim3A_634, %select_n3A_630 : vector<8x128xi1>, vector<8x128xi32>
    %eq3A_636 = arith.constant 6 : i32
    %eq3A_637 = vector.broadcast %eq3A_636 : i32 to vector<8x128xi32>
    %eq3A_638 = arith.cmpi eq, %iota3A_0, %eq3A_637 : vector<8x128xi32>
    %broadcast_in_dim3A_639 = vector.broadcast %reduce_min3A_197 : i32 to vector<8x128xi32>
    %select_n3A_640 = arith.select %eq3A_638, %broadcast_in_dim3A_639, %select_n3A_635 : vector<8x128xi1>, vector<8x128xi32>
    %eq3A_641 = arith.constant 7 : i32
    %eq3A_642 = vector.broadcast %eq3A_641 : i32 to vector<8x128xi32>
    %eq3A_643 = arith.cmpi eq, %iota3A_0, %eq3A_642 : vector<8x128xi32>
    %broadcast_in_dim3A_644 = vector.broadcast %reduce_min3A_207 : i32 to vector<8x128xi32>
    %select_n3A_645 = arith.select %eq3A_643, %broadcast_in_dim3A_644, %select_n3A_640 : vector<8x128xi1>, vector<8x128xi32>
    %swap3A_646 = arith.constant 0 : index
    %swap3A_647 = arith.constant 0 : index
    %swap3A_648 = arith.constant 0 : index
    %swap3A_649 = vector.load %arg14[%swap3A_646, %swap3A_647, %swap3A_648] : memref<1x8x128xi32, #tpu.memory_space<vmem>>, vector<1x8x128xi32>
    %swap3A_650 = vector.shape_cast %swap3A_649 : vector<1x8x128xi32> to vector<8x128xi32>
    %swap3A_651 = vector.shape_cast %select_n3A_645 : vector<8x128xi32> to vector<1x8x128xi32>
    tpu.vector_store %arg14[%swap3A_646, %swap3A_647, %swap3A_648], %swap3A_651 {strides = array<i32>} : memref<1x8x128xi32, #tpu.memory_space<vmem>>, vector<1x8x128xi32>,
    return
  }
  func.func @transform_0(%arg0: i32, %arg1: memref<128xi32, #tpu.memory_space<smem>>, %arg2: memref<128xf32, #tpu.memory_space<smem>>, %arg3: memref<128xi32, #tpu.memory_space<smem>>, %arg4: memref<128xf32, #tpu.memory_space<smem>>) -> (i32, i32, i32) {
    %mul3A = arith.constant 8 : i32
    %mul3A_0 = arith.muli %arg0, %mul3A : i32
    %add3A = arith.constant 0 : i32
    %add3A_1 = arith.addi %mul3A_0, %add3A : i32
    %get3A = arith.index_cast %add3A_1 : i32 to index
    %get3A_2 = memref.load %arg1[%get3A] : memref<128xi32, #tpu.memory_space<smem>>
    %c0_i32 = arith.constant 0 : i32
    %c0_i32_3 = arith.constant 0 : i32
    %c0_i32_4 = arith.constant 0 : i32
    return %get3A_2, %c0_i32, %c0_i32_3 : i32, i32, i32
  }
  func.func @transform_1(%arg0: i32, %arg1: memref<128xi32, #tpu.memory_space<smem>>, %arg2: memref<128xf32, #tpu.memory_space<smem>>, %arg3: memref<128xi32, #tpu.memory_space<smem>>, %arg4: memref<128xf32, #tpu.memory_space<smem>>) -> (i32, i32, i32) {
    %mul3A = arith.constant 8 : i32
    %mul3A_0 = arith.muli %arg0, %mul3A : i32
    %add3A = arith.constant 1 : i32
    %add3A_1 = arith.addi %mul3A_0, %add3A : i32
    %get3A = arith.index_cast %add3A_1 : i32 to index
    %get3A_2 = memref.load %arg1[%get3A] : memref<128xi32, #tpu.memory_space<smem>>
    %c0_i32 = arith.constant 0 : i32
    %c0_i32_3 = arith.constant 0 : i32
    %c0_i32_4 = arith.constant 0 : i32
    return %get3A_2, %c0_i32, %c0_i32_3 : i32, i32, i32
  }
  func.func @transform_2(%arg0: i32, %arg1: memref<128xi32, #tpu.memory_space<smem>>, %arg2: memref<128xf32, #tpu.memory_space<smem>>, %arg3: memref<128xi32, #tpu.memory_space<smem>>, %arg4: memref<128xf32, #tpu.memory_space<smem>>) -> (i32, i32, i32) {
    %mul3A = arith.constant 8 : i32
    %mul3A_0 = arith.muli %arg0, %mul3A : i32
    %add3A = arith.constant 2 : i32
    %add3A_1 = arith.addi %mul3A_0, %add3A : i32
    %get3A = arith.index_cast %add3A_1 : i32 to index
    %get3A_2 = memref.load %arg1[%get3A] : memref<128xi32, #tpu.memory_space<smem>>
    %c0_i32 = arith.constant 0 : i32
    %c0_i32_3 = arith.constant 0 : i32
    %c0_i32_4 = arith.constant 0 : i32
    return %get3A_2, %c0_i32, %c0_i32_3 : i32, i32, i32
  }
  func.func @transform_3(%arg0: i32, %arg1: memref<128xi32, #tpu.memory_space<smem>>, %arg2: memref<128xf32, #tpu.memory_space<smem>>, %arg3: memref<128xi32, #tpu.memory_space<smem>>, %arg4: memref<128xf32, #tpu.memory_space<smem>>) -> (i32, i32, i32) {
    %mul3A = arith.constant 8 : i32
    %mul3A_0 = arith.muli %arg0, %mul3A : i32
    %add3A = arith.constant 3 : i32
    %add3A_1 = arith.addi %mul3A_0, %add3A : i32
    %get3A = arith.index_cast %add3A_1 : i32 to index
    %get3A_2 = memref.load %arg1[%get3A] : memref<128xi32, #tpu.memory_space<smem>>
    %c0_i32 = arith.constant 0 : i32
    %c0_i32_3 = arith.constant 0 : i32
    %c0_i32_4 = arith.constant 0 : i32
    return %get3A_2, %c0_i32, %c0_i32_3 : i32, i32, i32
  }
  func.func @transform_4(%arg0: i32, %arg1: memref<128xi32, #tpu.memory_space<smem>>, %arg2: memref<128xf32, #tpu.memory_space<smem>>, %arg3: memref<128xi32, #tpu.memory_space<smem>>, %arg4: memref<128xf32, #tpu.memory_space<smem>>) -> (i32, i32, i32) {
    %mul3A = arith.constant 8 : i32
    %mul3A_0 = arith.muli %arg0, %mul3A : i32
    %add3A = arith.constant 4 : i32
    %add3A_1 = arith.addi %mul3A_0, %add3A : i32
    %get3A = arith.index_cast %add3A_1 : i32 to index
    %get3A_2 = memref.load %arg1[%get3A] : memref<128xi32, #tpu.memory_space<smem>>
    %c0_i32 = arith.constant 0 : i32
    %c0_i32_3 = arith.constant 0 : i32
    %c0_i32_4 = arith.constant 0 : i32
    return %get3A_2, %c0_i32, %c0_i32_3 : i32, i32, i32
  }
  func.func @transform_5(%arg0: i32, %arg1: memref<128xi32, #tpu.memory_space<smem>>, %arg2: memref<128xf32, #tpu.memory_space<smem>>, %arg3: memref<128xi32, #tpu.memory_space<smem>>, %arg4: memref<128xf32, #tpu.memory_space<smem>>) -> (i32, i32, i32) {
    %mul3A = arith.constant 8 : i32
    %mul3A_0 = arith.muli %arg0, %mul3A : i32
    %add3A = arith.constant 5 : i32
    %add3A_1 = arith.addi %mul3A_0, %add3A : i32
    %get3A = arith.index_cast %add3A_1 : i32 to index
    %get3A_2 = memref.load %arg1[%get3A] : memref<128xi32, #tpu.memory_space<smem>>
    %c0_i32 = arith.constant 0 : i32
    %c0_i32_3 = arith.constant 0 : i32
    %c0_i32_4 = arith.constant 0 : i32
    return %get3A_2, %c0_i32, %c0_i32_3 : i32, i32, i32
  }
  func.func @transform_6(%arg0: i32, %arg1: memref<128xi32, #tpu.memory_space<smem>>, %arg2: memref<128xf32, #tpu.memory_space<smem>>, %arg3: memref<128xi32, #tpu.memory_space<smem>>, %arg4: memref<128xf32, #tpu.memory_space<smem>>) -> (i32, i32, i32) {
    %mul3A = arith.constant 8 : i32
    %mul3A_0 = arith.muli %arg0, %mul3A : i32
    %add3A = arith.constant 6 : i32
    %add3A_1 = arith.addi %mul3A_0, %add3A : i32
    %get3A = arith.index_cast %add3A_1 : i32 to index
    %get3A_2 = memref.load %arg1[%get3A] : memref<128xi32, #tpu.memory_space<smem>>
    %c0_i32 = arith.constant 0 : i32
    %c0_i32_3 = arith.constant 0 : i32
    %c0_i32_4 = arith.constant 0 : i32
    return %get3A_2, %c0_i32, %c0_i32_3 : i32, i32, i32
  }
  func.func @transform_7(%arg0: i32, %arg1: memref<128xi32, #tpu.memory_space<smem>>, %arg2: memref<128xf32, #tpu.memory_space<smem>>, %arg3: memref<128xi32, #tpu.memory_space<smem>>, %arg4: memref<128xf32, #tpu.memory_space<smem>>) -> (i32, i32, i32) {
    %mul3A = arith.constant 8 : i32
    %mul3A_0 = arith.muli %arg0, %mul3A : i32
    %add3A = arith.constant 7 : i32
    %add3A_1 = arith.addi %mul3A_0, %add3A : i32
    %get3A = arith.index_cast %add3A_1 : i32 to index
    %get3A_2 = memref.load %arg1[%get3A] : memref<128xi32, #tpu.memory_space<smem>>
    %c0_i32 = arith.constant 0 : i32
    %c0_i32_3 = arith.constant 0 : i32
    %c0_i32_4 = arith.constant 0 : i32
    return %get3A_2, %c0_i32, %c0_i32_3 : i32, i32, i32
  }
  func.func @transform_8(%arg0: i32, %arg1: memref<128xi32, #tpu.memory_space<smem>>, %arg2: memref<128xf32, #tpu.memory_space<smem>>, %arg3: memref<128xi32, #tpu.memory_space<smem>>, %arg4: memref<128xf32, #tpu.memory_space<smem>>) -> (i32, i32, i32) {
    %c0_i32 = arith.constant 0 : i32
    %c0_i32_0 = arith.constant 0 : i32
    %c0_i32_1 = arith.constant 0 : i32
    return %arg0, %c0_i32, %c0_i32_0 : i32, i32, i32
  }
  func.func @transform_9(%arg0: i32, %arg1: memref<128xi32, #tpu.memory_space<smem>>, %arg2: memref<128xf32, #tpu.memory_space<smem>>, %arg3: memref<128xi32, #tpu.memory_space<smem>>, %arg4: memref<128xf32, #tpu.memory_space<smem>>) -> (i32, i32, i32) {
    %c0_i32 = arith.constant 0 : i32
    %c0_i32_0 = arith.constant 0 : i32
    %c0_i32_1 = arith.constant 0 : i32
    return %arg0, %c0_i32, %c0_i32_0 : i32, i32, i32
  }
}

</mosaic_0001>

<sc_bundles>
// kernel: scatter_offload_async_start
scs
__scs_entry_jumppad:
0x0: {  	(pc) =	sbr.rel $0x88, $3  }
0x1: {  	(tag) =	ssettag $0x0;
	lr =	simm.s32 $0x1  }
0x2: {  	[smem:$0x3F9A] =	sst lr;
	_ =	strace $0xD0000000  }
0x3: {  	_ = 	snop  }
0x4: {  	_ = 	snop  }
0x5: {  	_ = 	snop  }
0x6: {  	_ = 	snop  }
0x7: {  	_ = 	snop  }
__scs_overlays_trampoline_lowered:
0x8: {  	[smem:$0x3FA9] =	sst s0  }
0x9: {  	[smem:$0x3FAA] =	sst s1  }
0xa: {  	[smem:$0x3FAB] =	sst s2  }
0xb: {  	[smem:$0x3FAC] =	sst s3  }
0xc: {  	[smem:$0x3FAD] =	sst s4  }
0xd: {  	[smem:$0x3FAE] =	sst s5  }
0xe: {  	[smem:$0x3FAF] =	sst s6  }
0xf: {  	[smem:$0x3FB0] =	sst s7  }
0x10: {  	[smem:$0x3FB1] =	sst s8  }
0x11: {  	[smem:$0x3FB2] =	sst s9;
	s0 =	simm.s32 @!p0 $0x0  }
0x12: {  	s1 =	sld [smem:$0x3F98];
	s0 =	simm.s32 @p0 $0x1  }
0x13: {  	[smem:$0x3FB3] =	sst s0;
	s0 =	simm.s32 @!p1 $0x0  }
0x14: {  	s2 =	sld [smem:$0x3F97];
	s0 =	simm.s32 @p1 $0x1  }
0x15: {  	[smem:$0x3FB4] =	sst s0;
	s0 =	simm.s32 @!p2 $0x0  }
0x16: {  	s3 =	sld [smem:$0x3FDB];
	s0 =	simm.s32 @p2 $0x1  }
0x17: {  	s4 =	simm.s32 $0x1BF5;
	[smem:$0x3FB6] =	sst s0  }
0x18: {  	s0 =	sld [smem:$0x3F99];
	_ =	swait.ge [sflag:s4], $0x0  }
0x19: {  	s7 =	sld [smem:$0x3F9A]  }
0x1a: {  	s8 =	sadd.s32 $0xFFFFE003, lr  }
0x1b: {  	s9 =	sadd.s32 $0xFFFFFEF7, lr;
	s5 =	simm.s32 $0xFFFFFFFF;
	p2 =	slt.u32 s8, $0xFFFFF086  }
0x1c: {  	p1 =	slt.u32 s9, $0xF7A;
	s5 =	simm.s32 @!p2 $0x0  }
0x1d: {  	s5 =	simm.s32 @p1 $0x1;
	p0 =	seq.s32 s7, s2  }
0x1e: {  	s7 =	smul.u32 @!p0 $0xF7A, s2;
	p2 =	seq.s32 @!p0 s5, $0x0  }
0x1f: {  	s9 =	smul.u32 $0xF7A, s1;
	s8 =	simm.s32 @!p0 $0x1BF5;
	p2 =	por !p2, p0  }
0x20: {  	[sflag:s8] =	ssyncset.s32 @!p0 $0xFFFFF086;
	s6 =	sadd.s32 @!p0 s3, s7;
	s7 =	simm.s32 @!p0 $0x108  }
0x21: {  	s3 =	sadd.s32 s3, s9;
	s6 =	sadd.s32 @!p0 $0x88, s6;
	s7 =	simm.s32 @p2 $0x1082  }
0x22: {  	[simem:s7], [sflag:s8] =	dma.local @!p0 [hbm:s6], $0xF7A  }
0x23: {  	s9 =	sor.u32 $0xD0000000, s2;
	s6 =	simm.s32 $0x108;
	_ =	swait.ge @!p0 [sflag:s8], $0x0  }
0x24: {  	s3 =	sadd.s32 $0x88, s3;
	s6 =	simm.s32 @!p1 $0x1082;
	[sflag:s4] =	ssyncset.s32 $0xFFFFF086  }
0x25: {  	[simem:s6], [sflag:s4] =	dma.local [hbm:s3], $0xF7A  }
0x26: {  	[smem:$0x3F9A] =	sst s1;
	(tag) =	ssettag s2;
	_ =	strace s9  }
0x27: {  	s1 =	sld [smem:$0x3FAA]  }
0x28: {  	s2 =	sld [smem:$0x3FAB]  }
0x29: {  	s4 =	sld [smem:$0x3FAD]  }
0x2a: {  	p0 =	seq.s32 s5, $0x0;
	s5 =	sld [smem:$0x3FAE]  }
0x2b: {  	s6 =	sld [smem:$0x3FAF]  }
0x2c: {  	s7 =	sld [smem:$0x3FB0]  }
0x2d: {  	s3 =	simm.s32 $0x108;
	s8 =	sld [smem:$0x3FB1]  }
0x2e: {  	s3 =	simm.s32 @!p0 $0x1082;
	s9 =	sld [smem:$0x3FB2]  }
0x2f: {  	lr =	sadd.s32 s0, s3;
	s0 =	sld [smem:$0x3FA9]  }
0x30: {  	s3 =	sld [smem:$0x3FAC]  }
0x31: {  	[smem:$0x3FB5] =	sst s10  }
0x32: {  	s10 =	sld [smem:$0x3FB3];
	_ =	sdelay $0x3  }
0x33: {  	p0 =	seq.s32 s10, $0x1;
	s10 =	sld [smem:$0x3FB5];
	_ =	sdelay $0x3  }
0x34: {  	[smem:$0x3FB5] =	sst s10  }
0x35: {  	s10 =	sld [smem:$0x3FB4];
	_ =	sdelay $0x3  }
0x36: {  	p1 =	seq.s32 s10, $0x1;
	s10 =	sld [smem:$0x3FB5];
	_ =	sdelay $0x3  }
0x37: {  	[smem:$0x3FB5] =	sst s10  }
0x38: {  	s10 =	sld [smem:$0x3FB6]  }
0x39: {  	_ = 	snop;
	(pc) =	sbr.ind lr, $3  }
0x3a: {  	_ = 	snop  }
0x3b: {  	_ = 	snop  }
0x3c: {  	p2 =	seq.s32 s10, $0x1;
	s10 =	sld [smem:$0x3FB5]  }
0x3d: {  	_ =	shalt  }
0x3e: {  	_ =	shalt  }
0x3f: {  	_ =	shalt  }
0x40: {  	_ =	shalt  }
0x41: {  	_ =	shalt  }
0x42: {  	_ =	shalt  }
0x43: {  	_ =	shalt  }
0x44: {  	_ =	shalt  }
0x45: {  	_ =	shalt  }
0x46: {  	_ =	shalt  }
0x47: {  	_ =	shalt  }
0x48: {  	_ =	shalt  }
0x49: {  	_ =	shalt  }
0x4a: {  	_ =	shalt  }
0x4b: {  	_ =	shalt  }
0x4c: {  	_ =	shalt  }
0x4d: {  	_ =	shalt  }
0x4e: {  	_ =	shalt  }
0x4f: {  	_ =	shalt  }
0x50: {  	_ =	shalt  }
0x51: {  	_ =	shalt  }
0x52: {  	_ =	shalt  }
0x53: {  	_ =	shalt  }
0x54: {  	_ =	shalt  }
0x55: {  	_ =	shalt  }
0x56: {  	_ =	shalt  }
0x57: {  	_ =	shalt  }
0x58: {  	_ =	shalt  }
0x59: {  	_ =	shalt  }
0x5a: {  	_ =	shalt  }
0x5b: {  	_ =	shalt  }
0x5c: {  	_ =	shalt  }
0x5d: {  	_ =	shalt  }
0x5e: {  	_ =	shalt  }
0x5f: {  	_ =	shalt  }
0x60: {  	_ =	shalt  }
0x61: {  	_ =	shalt  }
0x62: {  	_ =	shalt  }
0x63: {  	_ =	shalt  }
0x64: {  	_ =	shalt  }
0x65: {  	_ =	shalt  }
0x66: {  	_ =	shalt  }
0x67: {  	_ =	shalt  }
0x68: {  	_ =	shalt  }
0x69: {  	_ =	shalt  }
0x6a: {  	_ =	shalt  }
0x6b: {  	_ =	shalt  }
0x6c: {  	_ =	shalt  }
0x6d: {  	_ =	shalt  }
0x6e: {  	_ =	shalt  }
0x6f: {  	_ =	shalt  }
0x70: {  	_ =	shalt  }
0x71: {  	_ =	shalt  }
0x72: {  	_ =	shalt  }
0x73: {  	_ =	shalt  }
0x74: {  	_ =	shalt  }
0x75: {  	_ =	shalt  }
0x76: {  	_ =	shalt  }
0x77: {  	_ =	shalt  }
0x78: {  	_ =	shalt  }
0x79: {  	_ =	shalt  }
0x7a: {  	_ =	shalt  }
0x7b: {  	_ =	shalt  }
0x7c: {  	_ =	shalt  }
0x7d: {  	_ =	shalt  }
0x7e: {  	_ =	shalt  }
0x7f: {  	_ =	shalt  }
0x80: {  	_ =	shalt  }
0x81: {  	_ =	shalt  }
0x82: {  	_ =	shalt  }
0x83: {  	_ =	shalt  }
0x84: {  	_ =	shalt  }
0x85: {  	_ =	shalt  }
0x86: {  	_ =	shalt  }
0x87: {  	_ =	shalt  }
.Lfunc_end0:
.L_simem_size_0:
called_computation_lowered:
.L_overlay_start_0:
0x88: {  	s0 =	sld [smem:$0x3FD9]  }
0x89: {  	s1 =	sld [smem:$0x3FFE];
	_ =	sdelay $0x3  }
0x8a: {  	s0 =	sadd.s32 s1, s0  }
0x8b: {  	[smem:$0x3FC1] =	sst s0  }
0x8c: {  	_ = 	snop  }
0x8d: {  	s0 =	sld [smem:$0x3FD0];
	_ =	sdelay $0x2  }
0x8e: {  	s13 =	simm.s32 $0xA;
	s2 =	simm.s32 $0x10  }
0x8f: {  	[smem:s2], [sflag:s13] =	dma.local [hbm:s0], $0x1  }
0x90: {  	_ =	swait.eq [sflag:s13], $0x1  }
0x91: {  	[sflag:s13] =	ssyncset.done $0x0  }
0x92: {  	s14 =	sld [smem:$0x10];
	[sflag:s13] =	ssyncadd.s32 $0xFFFFFFFF  }
0x93: {  	s15 =	sld [smem:$0x11];
	(tm) =	ssettm $0x1  }
0x94: {  	s16 =	sld [smem:$0x3FFB];
	_ =	sdelay $0x3  }
0x95: {  	_ =	strace s16  }
0x96: {  	s2 =	sld [smem:$0x3FFC];
	_ =	sdelay $0x3  }
0x97: {  	_ =	strace s2  }
0x98: {  	s2 =	sld [smem:$0x3FFD];
	_ =	sdelay $0x3  }
0x99: {  	_ =	strace s2  }
0x9a: {  	_ =	strace $0x8FFFFFFF  }
0x9b: {  	s17 =	sld [smem:$0x3FDB];
	_ =	sdelay $0x1  }
0x9c: {  	s3 =	simm.s32 $_scs_section_size  }
0x9d: {  	s4 =	simm.s32 $_size__tile_overlayer_lowered;
	s5 =	simm.s32 $_tile_overlayer_lowered  }
0x9e: {  	s20 =	simm.s32 $0x1BFF;
	s19 =	sshll.u32 s5, $0x1;
	s2 =	sadd.s32 s3, s17  }
0x9f: {  	s6 =	simm.s32 $0x0;
	s18 =	sshll.u32 s4, $0x1;
	s4 =	sadd.s32 s19, s2  }
0xa0: {  	[timem:s6], [sflag:s20] =	dma.local [hbm:s4], s18  }
0xa1: {  	_ =	swait.ge [sflag:s20], s18  }
0xa2: {  	s3 =	ssub.s32 $0x0, s18;
	[sflag:s20] =	ssyncset.done $0x0  }
0xa3: {  	[sflag:s20] =	ssyncadd.s32 s3;
	_ =	sdelay $0x1  }
0xa4: {  	s21 =	simm.s32 $0x1B8B  }
0xa5: {  	_ =	swait.ge [sflag:s21], $0x1  }
0xa6: {  	[sflag:s21] =	ssyncset.done $0x0  }
0xa7: {  	s23 =	simm.s32 $0x1B8E;
	s22 =	sld [smem:$0x3FFE];
	[sflag:s21] =	ssyncadd.s32 $0xFFFFFFFF  }
0xa8: {  	s24 =	simm.s32 $execute0_lowered;
	[smem:$0x3FD2] =	sst s23  }
0xa9: {  	s4 =	sshll.u32 s24, $0x1;
	_ =	strace $0x80000046;
	[dreg:$0x1] =	wrdreg $0xFFFFFFFF  }
0xaa: {  	s25 =	simm.s32 $_size_execute0_lowered;
	s2 =	sadd.s32 s2, s4;
	[dreg:$0x0] =	wrdreg $0x0  }
0xab: {  	s4 =	sshll.u32 s25, $0x1;
	[dreg:$0x2] =	wrdreg s2  }
0xac: {  	[dreg:$0x3] =	wrdreg s4  }
0xad: {  	[dreg:$0x4] =	wrdreg $0xC0  }
0xae: {  	_ =	task [dreg:s6], $0x5FFFF  }
0xaf: {  	[dreg:$0x1] =	wrdreg $0xFFFFFFFF  }
0xb0: {  	[dreg:$0x0] =	wrdreg $0x60  }
0xb1: {  	[dreg:$0x2] =	wrdreg s15  }
0xb2: {  	[dreg:$0x3] =	wrdreg s14  }
0xb3: {  	[dreg:$0x4] =	wrdreg s22  }
0xb4: {  	[dreg:$0x5] =	wrdreg $0x9  }
0xb5: {  	_ =	task.clear_ibuf [dreg:s6], $0x6FFFF;
	_ =	strace $0x90000046  }
0xb6: {  	s26 =	simm.s32 $0x9;
	_ =	strace $0x80000048  }
0xb7: {  	_ =	swait.ge [sflag:s26], $0x1  }
0xb8: {  	[sflag:s26] =	ssyncadd.s32 $0xFFFFFFFF  }
0xb9: {  	_ =	strace $0x90000048  }
0xba: {  	_ =	sfence  }
0xbb: {  	s28 =	sld [smem:$0x0];
	_ =	sdelay $0x1  }
0xbc: {  	s29 =	srdreg.scid  }
0xbd: {  	s30 =	sshll.u32 s29, $0xD;
	s31 =	sshrl.u32 s29, $0x2  }
0xbe: {  	s1 =	sand.u32 $0x1, s29;
	s2 =	sand.u32 $0x4000, s30;
	s0 =	sadd.s32 s31, s28  }
0xbf: {  	s1 =	sor.u32 s2, s1;
	s0 =	sshll.u32 s0, $0x11  }
0xc0: {  	s0 =	sor.u32 s0, s1  }
0xc1: {  	s0 =	sadd.s32 $0x8F2B, s0  }
0xc2: {  	[sflag:s0] =	ssyncadd.remote.s32 $0x1  }
0xc3: {  	_ =	sfence.sel $0xFFFF  }
0xc4: {  	[dreg:$0x0] =	wrdreg $0xFFFFFFFF;
	(pc) =	sbr.abs _section_cstart, $3  }
0xc5: {  	[dreg:$0x1] =	wrdreg $0xFFFFFFFF  }
0xc6: {  	_ =	task.clear_ibuf [dreg:s6], $0x2FFFF;
	_ =	strace $0x9FFFFFFF  }
0xc7: {  	(tm) =	ssettm $0x7FFFFFFF  }
tec
execute0_lowered:
.L_overlay_start_1:
0x0: {  	(tag) =	ssettag $0x1  }
0x1: {  	s1 =	rddreg [dreg:$0x0]  }
0x2: {  	s5 =	rddreg [dreg:$0x1]  }
0x3: {  	s4 =	rddreg [dreg:$0x2]  }
0x4: {  	s0 =	rddreg [dreg:$0x3];
	s2 =	stileid.u32  }
0x5: {  	_ =	strace $0x80000047;
	s3 =	simm.s32 $0x3E;
	p0 =	sne.s32 s2, $0x0  }
0x6: {  	[sflag:s3] =	ssyncpa.u1 $0x0;
	s6 =	simm.s32 @!p0 $0x1C3E;
	s2 =	simm.s32 @!p0 $0x0  }
0x7: {  	[spmem:s2], [sflag:s6] =	dma.local @!p0 [hbm:s1], $0x10  }
0x8: {  	s6 =	simm.s32 @!p0 $0x3E  }
0x9: {  	_ =	swait.ge @!p0 [sflag:s6], $0x10  }
0xa: {  	[sflag:s6] =	ssyncset.done @!p0 $0x0  }
0xb: {  	[sflag:s6] =	ssyncadd.s32 @!p0 $0xFFFFFFF0;
	s6 =	simm.s32 @!p0 $0x0  }
0xc: {  	s6 =	simm.s32 @p0 $0x10  }
0xd: {  	s7 =	ssub.s32 $0x10, s6  }
0xe: {  	s7 =	sshrl.u32 s7, $0x4  }
0xf: {  	s8 =	sadd.s32 $0x1, s7  }
0x10: {  	p3 =	sne.s32 s8, $0x1  }
.Ltmp0:
0x11: {  	p2 =	por $0x0, $0x0;
	[bflag:$0x0] =	sbarrier.arrive $0xFFFF;
	(pc) =	sbr.rel @!p3 .LBB2_5-.Ltmp0, $4  }
0x12: {  	s9 =	sadd.s32 $0x4000, s4;
	[sflag:s3] =	ssyncpa.u1 $0x1;
	s3 =	simm.s32 $0x1  }
0x13: {  	s4 =	simm.s32 $0x2;
	s10 =	sshrl.u32 s6, $0x3;
	[sflag:s3] =	ssyncpa.u1 $0x0  }
0x14: {  	(ifvalue) =	ssetifvalue $0x80;
	[sflag:s4] =	ssyncpa.u1 $0x0;
	s6 =	sadd.s32 s5, s10  }
0x15: {  	s5 =	sadd.s32 s9, s10;
	s10 =	simm.s32 $0x0;
	s9 =	simm.s32 $0x1  }
0x16: {  	p2 =	sle.u32 s7, $0x0  }
0x17: {  	s10 =	simm.s32 @!p2 $0x0;
	s11 =	simm.s32 @!p2 $0x18  }
0x18: {  	[tilespmem:s11], [sflag:$0x2] =	stream.linear.gather @!p2 [hbm4b:s6+s10], $0x10, $0x38;
	[tilespmem:$0x48] =	vst v63  }
0x19: {  	p1 =	por $0x1, $0x1;
	s11 =	simm.s32 @!p2 $0x38  }
0x1a: {  	[tilespmem:s11], [sflag:$0x2] =	stream.linear.gather @!p2 [hbm4b:s5+s10], $0x10, $0x38;
	[tilespmem:$0x48] =	vst v63  }
0x1b: {  	s10 =	simm.s32 @!p1 $0x2  }
0x1c: {  	_ =	swait.ge @!p1 [sflag:s10], $0x20  }
0x1d: {  	[sflag:s10] =	ssyncset.done @!p1 $0x0  }
0x1e: {  	s11 =	simm.s32 @!p1 $0x18;
	[sflag:s10] =	ssyncadd.s32 @!p1 $0xFFFFFFE0  }
0x1f: {  	v0 =	vld.msk @!p1 [tilespmem:s11+$0x0 ss:$0x1], $0xffff;
	_ =	sdelay $0x4  }
0x20: {  	v0 =	vmin.u32 @!p1 v0, $0x80;
	_ =	sdelay $0x1  }
0x21: {  	p3 =	sne.s32 s8, $0x2  }
.Ltmp1:
0x22: {  	_ = 	snop;
	(pc) =	sbr.rel @!p3 .LBB2_2-.Ltmp1, $4  }
0x23: {  	vm0 =	vmmov @!p1 $0xffff;
	s10 =	simm.s32 @!p1 $0x38;
	s11 =	simm.s32 @!p1 $0x0  }
0x24: {  	[spmem:s11] =	stream.indirect_vreg.scatter.add.s32 @!p1 [tilespmem:s10], [sflag:$0x1], $0x1, v0, vm0, $0x4038;
	[tilespmem:$0x48] =	vst v63  }
0x25: {  	s11 =	simm.s32 @!p1 $0x1  }
0x26: {  	p2 =	por $0x1, $0x1;
	s10 =	simm.s32 $0x2;
	_ =	swait.ge @!p1 [sflag:s11], $0x10  }
.LBB2_3:
0x27: {  	p4 =	sge.u32 s9, s7  }
0x28: {  	[sflag:s11] =	ssyncset.done @!p1 $0x0;
	s12 =	smov.u32 s10;
	s10 =	sadd.s32 $0x1, s10  }
0x29: {  	s13 =	simm.s32 @!p4 $0x0;
	s14 =	simm.s32 @!p4 $0x18;
	[sflag:s11] =	ssyncadd.s32 @!p1 $0xFFFFFFF0  }
0x2a: {  	[tilespmem:s14], [sflag:$0x2] =	stream.linear.gather @!p4 [hbm4b:s6+s13], $0x10, $0x38;
	[tilespmem:$0x48] =	vst v63  }
0x2b: {  	p3 =	sne.s32 s8, s10;
	s11 =	simm.s32 @!p4 $0x38;
	p1 =	seq.s32 s9, $0x0  }
0x2c: {  	[tilespmem:s11], [sflag:$0x2] =	stream.linear.gather @!p4 [hbm4b:s5+s13], $0x10, $0x38;
	[tilespmem:$0x48] =	vst v63  }
0x2d: {  	s9 =	smov.u32 s12;
	s11 =	simm.s32 @!p1 $0x2  }
0x2e: {  	_ =	swait.ge @!p1 [sflag:s11], $0x20  }
0x2f: {  	s12 =	simm.s32 @!p1 $0x18;
	[sflag:s11] =	ssyncset.done @!p1 $0x0  }
0x30: {  	[sflag:s11] =	ssyncadd.s32 @!p1 $0xFFFFFFE0  }
0x31: {  	v0 =	vld.msk @!p1 [tilespmem:s12+$0x0 ss:$0x1], $0xffff;
	_ =	sdelay $0x5  }
0x32: {  	v0 =	vmin.u32 @!p1 v0, $0x80;
	_ =	sdelay $0x1  }
.Ltmp2:
0x33: {  	(pc) =	sbr.rel @p3 .LBB2_3-.Ltmp2, $4  }
0x34: {  	vm0 =	vmmov @!p1 $0xffff;
	s13 =	simm.s32 @!p1 $0x0;
	s12 =	simm.s32 @!p1 $0x38  }
0x35: {  	s11 =	simm.s32 @!p1 $0x1  }
0x36: {  	[spmem:s13] =	stream.indirect_vreg.scatter.add.s32 @!p1 [tilespmem:s12], [sflag:$0x1], $0x1, v0, vm0, $0x4038;
	[tilespmem:$0x48] =	vst v63  }
0x37: {  	_ =	swait.ge @!p1 [sflag:s11], $0x10  }
0x38: {  	s10 =	smov.u32 s9  }
.LBB2_5:
0x39: {  	p1 =	por p1, !p2  }
0x3a: {  	p2 =	sge.u32 s10, s7;
	[sflag:s11] =	ssyncset.done @!p1 $0x0  }
0x3b: {  	s7 =	simm.s32 @!p2 $0x0;
	s8 =	simm.s32 @!p2 $0x18;
	[sflag:s11] =	ssyncadd.s32 @!p1 $0xFFFFFFF0  }
0x3c: {  	[tilespmem:s8], [sflag:$0x2] =	stream.linear.gather @!p2 [hbm4b:s6+s7], $0x10, $0x38;
	[tilespmem:$0x48] =	vst v63  }
0x3d: {  	p1 =	seq.s32 s10, $0x0;
	s6 =	simm.s32 @!p2 $0x38  }
0x3e: {  	[tilespmem:s6], [sflag:$0x2] =	stream.linear.gather @!p2 [hbm4b:s5+s7], $0x10, $0x38;
	[tilespmem:$0x48] =	vst v63  }
0x3f: {  	s5 =	simm.s32 @!p1 $0x2  }
0x40: {  	_ =	swait.ge @!p1 [sflag:s5], $0x20  }
0x41: {  	[sflag:s5] =	ssyncset.done @!p1 $0x0  }
0x42: {  	s6 =	simm.s32 @!p1 $0x18;
	[sflag:s5] =	ssyncadd.s32 @!p1 $0xFFFFFFE0  }
0x43: {  	v0 =	vld.msk @!p1 [tilespmem:s6+$0x0 ss:$0x1], $0xffff;
	_ =	sdelay $0x4  }
0x44: {  	v0 =	vmin.u32 @!p1 v0, $0x80;
	_ =	sdelay $0x3  }
0x45: {  	vm0 =	vmmov @!p1 $0xffff;
	s7 =	simm.s32 @!p1 $0x1;
	s5 =	simm.s32 @!p1 $0x38;
	s6 =	simm.s32 @!p1 $0x0  }
0x46: {  	[spmem:s6] =	stream.indirect_vreg.scatter.add.s32 @!p1 [tilespmem:s5], [sflag:$0x1], $0x1, v0, vm0, $0x4038;
	[tilespmem:$0x48] =	vst v63  }
0x47: {  	_ =	swait.ge @!p1 [sflag:s7], $0x10  }
0x48: {  	[sflag:s7] =	ssyncset.done @!p1 $0x0  }
0x49: {  	[sflag:s7] =	ssyncadd.s32 @!p1 $0xFFFFFFF0  }
0x4a: {  	_ =	sfence.sel $0x180000  }
0x4b: {  	[bflag:$0x0] =	sbarrier.arrive $0xFFFF  }
0x4c: {  	[sflag:s4] =	ssyncpa.u1 $0x1  }
0x4d: {  	[sflag:s3] =	ssyncpa.u1 $0x1  }
0x4e: {  	_ =	sfence.stream.spmem  }
0x4f: {  	s31 =	simm.s32 $0x3D;
	[bflag:$0x0] =	sbarrier.arrive $0xFFFF  }
0x50: {  	s3 =	simm.s32 @p0 $0x3D;
	[sflag:s31] =	ssyncpa.u1 $0x0  }
0x51: {  	[sflag:s3] =	ssyncpa.u1 @p0 $0x1  }
0x52: {  	[bflag:$0x0] =	sbarrier.arrive @p0 $0xFFFF  }
0x53: {  	_ =	strace @p0 $0x90000047  }
0x54: {  	s3 =	simm.s32 @!p0 $0x1C3D;
	[bflag:$0x2] =	sbarrier.arrive @p0 $0xFFFF  }
0x55: {  	[hbm:s1], [sflag:s3] =	dma.local @!p0 [spmem:s2], $0x10  }
0x56: {  	s1 =	simm.s32 @!p0 $0x3D  }
0x57: {  	_ =	swait.ge @!p0 [sflag:s1], $0x10  }
0x58: {  	[sflag:s1] =	ssyncset.done @!p0 $0x0  }
0x59: {  	[sflag:s1] =	ssyncadd.s32 @!p0 $0xFFFFFFF0  }
0x5a: {  	[sflag:s1] =	ssyncpa.u1 @!p0 $0x1  }
0x5b: {  	[bflag:$0x0] =	sbarrier.arrive @!p0 $0xFFFF  }
0x5c: {  	_ =	strace @!p0 $0x90000047  }
0x5d: {  	s0 =	sadd.s32 @!p0 $0x100000, s0;
	[bflag:$0x2] =	sbarrier.arrive @!p0 $0xFFFF  }
0x5e: {  	[sflag:s0] =	ssyncadd.tile.s32 @!p0 $0x1;
	_ =	shalt  }
.LBB2_2:
.Ltmp3:
0x5f: {  	(pc) =	sbr.rel .LBB2_5-.Ltmp3, $2  }
0x60: {  	_ =	sdelay $0x2  }
0x61: {  	s10 =	simm.s32 $0x1  }
.Lfunc_end2:
_tile_overlayer_lowered:
.L_overlay_start_2:
0x62: {  	(tag) =	ssettag $0x2  }
0x63: {  	s0 =	rddreg [dreg:$0x0];
	s2 =	stileid.u32  }
0x64: {  	s1 =	rddreg [dreg:$0x1];
	p0 =	sne.s32 s2, $0x0  }
0x65: {  	s3 =	rddreg [dreg:$0x2];
	[bflag:$0x3] =	sbarrier.arrive $0xFFFF;
	s2 =	simm.s32 @!p0 $0x1C01  }
0x66: {  	[timem:s3], [sflag:s2] =	dma.local @!p0 [hbm:s0], s1  }
0x67: {  	s0 =	simm.s32 @!p0 $0x1  }
0x68: {  	_ =	swait.ge @!p0 [sflag:s0], s1  }
0x69: {  	s1 =	ssub.s32 @!p0 $0x0, s1;
	[sflag:s0] =	ssyncset.done @!p0 $0x0  }
0x6a: {  	[sflag:s0] =	ssyncadd.s32 @!p0 s1  }
0x6b: {  	[bflag:$0x3] =	sbarrier.arrive $0xFFFF  }
0x6c: {  	_ =	shalt  }

</sc_bundles>
